<compile_context>
chip_gen: v7x
topology: tpu7x:2x2x1
jax: 0.10.2.dev20260603
libtpu: 0.0.44.dev20260713+nightly
codegen_flags: <defaults>
</compile_context>

<pallas_src>
import functools

import jax
import jax.numpy as jnp
from jax import lax
from jax.experimental import pallas as pl
from jax.experimental.pallas import tpu as pltpu
from jax.experimental.pallas import tpu_sc as plsc

N_SEG = 10000
N_ELEM = 640000
UMAP_DIM = 100
HIDDEN = 256
NUM_DX = 1000

NC = 2
NS = 16
NW = NC * NS
SUB = 80
BLOCK = 2 * SUB
IGRP = 8
ROWS_BIG = 20480
NFETCH_BIG = ROWS_BIG // (SUB * IGRP)
NFETCH_LAST = (N_ELEM - 31 * ROWS_BIG) // (SUB * IGRP)
RD_WORKERS = 10
RD_ROWS = N_SEG // RD_WORKERS
DPAD = 128


def _seg_sum_body(x_hbm, bi_hbm, z_hbm, out_hbm, xv0, xv1, iv, shared,
                  sem0, sem1, ssem0, ssem1):
    cid = lax.axis_index("c")
    sid = lax.axis_index("s")
    wid = cid * NS + sid
    bufs = (xv0, xv1)
    sems = (sem0, sem1)
    ssems = (ssem0, ssem1)

    @pl.when(sid < RD_WORKERS)
    def _():
        pltpu.sync_copy(z_hbm, shared.at[pl.ds(sid * RD_ROWS, RD_ROWS)])

    plsc.subcore_barrier()

    row0 = wid * ROWS_BIG
    irow0 = wid * (ROWS_BIG // SUB)
    nfetch = jnp.where(wid == NW - 1, NFETCH_LAST, NFETCH_BIG)
    nblk = nfetch * (IGRP // 2)

    pltpu.async_copy(x_hbm.at[pl.ds(row0, BLOCK)], bufs[0], sems[0])

    def scatter_pair(p, g):
        for j in range(2):
            pltpu.async_copy(bufs[p].at[pl.ds(j * SUB, SUB)],
                             shared.at[iv.at[2 * g + j]], ssems[p],
                             add=True)

    def drain_pair(p, g):
        for j in range(2):
            pltpu.make_async_copy(bufs[p].at[pl.ds(j * SUB, SUB)],
                                  shared.at[iv.at[2 * g + j]],
                                  ssems[p]).wait()

    def outer(f, _):
        @pl.when(f > 0)
        def _():
            drain_pair(1, IGRP // 2 - 1)

        pltpu.sync_copy(bi_hbm.at[pl.ds(irow0 + f * IGRP, IGRP)], iv)
        for g in range(IGRP // 2):
            p = g % 2
            b = f * (IGRP // 2) + g

            if g > 0:
                drain_pair(1 - p, g - 1)

            @pl.when(b + 1 < nblk)
            def _():
                pltpu.async_copy(x_hbm.at[pl.ds(row0 + (b + 1) * BLOCK,
                                                BLOCK)],
                                 bufs[1 - p], sems[1 - p])

            pltpu.make_async_copy(
                x_hbm.at[pl.ds(row0, BLOCK)], bufs[p], sems[p]).wait()
            scatter_pair(p, g)
        return 0

    lax.fori_loop(0, nfetch, outer, 0)

    drain_pair(1, IGRP // 2 - 1)

    plsc.subcore_barrier()

    @pl.when(sid < RD_WORKERS)
    def _():
        pltpu.sync_copy(shared.at[pl.ds(sid * RD_ROWS, RD_ROWS)],
                        out_hbm.at[cid, pl.ds(sid * RD_ROWS, RD_ROWS)])


@jax.jit
def _seg_sum_sc(x, bi2, zeros):
    mesh = plsc.VectorSubcoreMesh(core_axis_name="c", subcore_axis_name="s")
    return pl.kernel(
        _seg_sum_body,
        out_type=jax.ShapeDtypeStruct((NC, N_SEG, DPAD), jnp.float32),
        mesh=mesh,
        scratch_types=[
            pltpu.VMEM((BLOCK, DPAD), jnp.float32),
            pltpu.VMEM((BLOCK, DPAD), jnp.float32),
            pltpu.VMEM((IGRP, SUB), jnp.int32),
            pltpu.VMEM_SHARED((N_SEG, DPAD), jnp.float32),
            pltpu.SemaphoreType.DMA,
            pltpu.SemaphoreType.DMA,
            pltpu.SemaphoreType.DMA,
            pltpu.SemaphoreType.DMA,
        ],
    )(x, bi2, zeros)


def _mlp_body(p_ref, w1_ref, b1_ref, g_ref, bt_ref, mu_ref, var_ref,
              w2_ref, b2_ref, out_ref):
    pooled = p_ref[0] + p_ref[1]
    h = lax.dot_general(pooled, w1_ref[...], (((1,), (1,)), ((), ())),
                        preferred_element_type=jnp.float32)
    h = h + b1_ref[...]
    inv = lax.rsqrt(var_ref[...] + 1e-5)
    h = (h - mu_ref[...]) * (inv * g_ref[...]) + bt_ref[...]
    h = jnp.where(h >= 0, h, 0.01 * h)
    out_ref[...] = lax.dot_general(h, w2_ref[...], (((1,), (1,)), ((), ())),
                                   preferred_element_type=jnp.float32) + b2_ref[...]


@jax.jit
def _mlp_tc(p2, W1, b1, gamma, beta, mu, var, W2, b2):
    mb = 2000
    grid = N_SEG // mb
    return pl.pallas_call(
        _mlp_body,
        grid=(grid,),
        in_specs=[
            pl.BlockSpec((NC, mb, DPAD), lambda i: (0, i, 0)),
            pl.BlockSpec((HIDDEN, DPAD), lambda i: (0, 0)),
            pl.BlockSpec((1, HIDDEN), lambda i: (0, 0)),
            pl.BlockSpec((1, HIDDEN), lambda i: (0, 0)),
            pl.BlockSpec((1, HIDDEN), lambda i: (0, 0)),
            pl.BlockSpec((1, HIDDEN), lambda i: (0, 0)),
            pl.BlockSpec((1, HIDDEN), lambda i: (0, 0)),
            pl.BlockSpec((NUM_DX, HIDDEN), lambda i: (0, 0)),
            pl.BlockSpec((1, NUM_DX), lambda i: (0, 0)),
        ],
        out_specs=pl.BlockSpec((mb, NUM_DX), lambda i: (i, 0)),
        out_shape=jax.ShapeDtypeStruct((N_SEG, NUM_DX), jnp.float32),
        compiler_params=pltpu.CompilerParams(
            dimension_semantics=("parallel",)),
    )(p2, W1, b1, gamma, beta, mu, var, W2, b2)


def kernel(symptoms_vector_tensor, batch_index, W1, b1, gamma, beta,
           running_mean, running_var, W2, b2):
    x128 = jnp.pad(symptoms_vector_tensor, ((0, 0), (0, DPAD - UMAP_DIM)))
    W1p = jnp.pad(W1, ((0, 0), (0, DPAD - UMAP_DIM)))
    bi2 = batch_index.astype(jnp.int32).reshape(N_ELEM // SUB, SUB)
    zeros = jnp.zeros((RD_ROWS, DPAD), jnp.float32)
    partials = _seg_sum_sc(x128, bi2, zeros)
    return _mlp_tc(partials, W1p, b1.reshape(1, -1), gamma.reshape(1, -1),
                   beta.reshape(1, -1), running_mean.reshape(1, -1),
                   running_var.reshape(1, -1), W2, b2.reshape(1, -1))

# --- scband reference (transcript-rebuilt; emitter-appended) ---
"""Pipeline reference for scband-umap-set-classifier-90580860272640 (READ-ONLY COPY).

The authoritative reference and input builder live on the scoring server;
editing this copy changes nothing except your own understanding.
"""

import jax, jax.numpy as jnp
import numpy as np

N_SEG = 10000
N_ELEM = 640000
UMAP_DIM = 100
HIDDEN = 256
NUM_DX = 1000


def setup_inputs(seed: int = 0) -> dict:
    key = jax.random.key(seed)
    ks = jax.random.split(key, 10)
    x = jax.random.normal(ks[0], (N_ELEM, UMAP_DIM), dtype=jnp.float32)
    batch_index = jnp.sort(jax.random.randint(ks[1], (N_ELEM,), 0, N_SEG, dtype=jnp.int64))
    W1 = jax.random.normal(ks[2], (HIDDEN, UMAP_DIM), dtype=jnp.float32) * (1.0 / np.sqrt(UMAP_DIM))
    b1 = jax.random.normal(ks[3], (HIDDEN,), dtype=jnp.float32) * 0.01
    gamma = 1.0 + 0.1 * jax.random.normal(ks[4], (HIDDEN,), dtype=jnp.float32)
    beta = 0.1 * jax.random.normal(ks[5], (HIDDEN,), dtype=jnp.float32)
    running_mean = 0.1 * jax.random.normal(ks[6], (HIDDEN,), dtype=jnp.float32)
    running_var = jax.random.uniform(ks[7], (HIDDEN,), dtype=jnp.float32, minval=0.5, maxval=1.5)
    W2 = jax.random.normal(ks[8], (NUM_DX, HIDDEN), dtype=jnp.float32) * (1.0 / np.sqrt(HIDDEN))
    b2 = jax.random.normal(ks[9], (NUM_DX,), dtype=jnp.float32) * 0.01
    return {
        "symptoms_vector_tensor": x,
        "batch_index": batch_index,
        "W1": W1, "b1": b1,
        "gamma": gamma, "beta": beta,
        "running_mean": running_mean, "running_var": running_var,
        "W2": W2, "b2": b2,
    }


def reference(symptoms_vector_tensor, batch_index, W1, b1, gamma, beta, running_mean, running_var, W2, b2):
    # global_add_pool == segment_sum over patient ids
    pooled = jax.ops.segment_sum(symptoms_vector_tensor, batch_index, num_segments=N_SEG)
    # Linear(umap_dim -> hidden)
    h = pooled @ W1.T + b1
    # BatchNorm1d (eval mode: running stats)
    h = (h - running_mean) / jnp.sqrt(running_var + 1e-5) * gamma + beta
    # LeakyReLU (default negative_slope=0.01)
    h = jnp.where(h >= 0, h, 0.01 * h)
    # Dropout(0.4) is identity in eval mode
    # Linear(hidden -> num_diagnoses)
    out = h @ W2.T + b2
    return out

if __name__ == "__main__":
    import jax
    _d = setup_inputs()
    print(jax.jit(kernel)(*tuple(_d.values())))

</pallas_src>

<mosaic_0001>
#map = affine_map<(d0, d1) -> (0, 0)>
#map1 = affine_map<(d0, d1) -> (0, 0, 0)>
module attributes {stable_mosaic.version = 14 : i64} {
  func.func @_seg_sum_body(%arg0: i32, %arg1: i32, %arg2: memref<640000x128xf32, #tpu.memory_space<hbm>>, %arg3: memref<8000x80xi32, #tpu.memory_space<hbm>>, %arg4: memref<1000x128xf32, #tpu.memory_space<hbm>>, %arg5: memref<2x10000x128xf32, #tpu.memory_space<hbm>>, %arg6: memref<160x128xf32, #tpu.memory_space<vmem>>, %arg7: memref<160x128xf32, #tpu.memory_space<vmem>>, %arg8: memref<8x80xi32, #tpu.memory_space<vmem>>, %arg9: memref<10000x128xf32, #tpu.memory_space<vmem_shared>>, %arg10: memref<!tpu.dma_semaphore, #tpu.memory_space<semaphore_mem>>, %arg11: memref<!tpu.dma_semaphore, #tpu.memory_space<semaphore_mem>>, %arg12: memref<!tpu.dma_semaphore, #tpu.memory_space<semaphore_mem>>, %arg13: memref<!tpu.dma_semaphore, #tpu.memory_space<semaphore_mem>>) attributes {dimension_semantics = [#tpu.dimension_semantics<core_parallel>, #tpu.dimension_semantics<subcore_parallel>], iteration_bounds = array<i64: 2, 16>, scalar_prefetch = 0 : i64, scratch_operands = 8 : i64, tpu.core_type = #tpu.core_type<sc_vector_subcore>, window_params = [{transform_indices = #map}, {transform_indices = #map}, {transform_indices = #map}, {transform_indices = #map1}]} {
    %mul3A = arith.constant 16 : i32
    %mul3A_0 = arith.muli %arg0, %mul3A : i32
    %add3A = arith.addi %mul3A_0, %arg1 : i32
    %lt3A = arith.constant 10 : i32
    %lt3A_1 = arith.cmpi slt, %arg1, %lt3A : i32
    %convert_element_type3A = arith.extui %lt3A_1 : i1 to i32
    %cond3A = arith.constant 0 : i32
    %cond3A_2 = arith.cmpi ne, %convert_element_type3A, %cond3A : i32
    scf.if %cond3A_2 {
      %mul3A_50 = arith.constant 1000 : i32
      %mul3A_51 = arith.muli %arg1, %mul3A_50 : i32
      "tpu.region"() ({
        %run_scoped3A = tpu.sem_alloc : memref<!tpu.dma_semaphore, #tpu.memory_space<semaphore_mem>>
        %dma_start3A_52 = arith.constant 0 : i32
        %dma_start3A_53 = tpu.memref_slice %arg9[%mul3A_51, %dma_start3A_52] : memref<10000x128xf32, #tpu.memory_space<vmem_shared>> -> memref<1000x128xf32, #tpu.memory_space<vmem_shared>>
        tpu.enqueue_dma source(%arg4 : memref<1000x128xf32, #tpu.memory_space<hbm>>) target(%dma_start3A_53 : memref<1000x128xf32, #tpu.memory_space<vmem_shared>>) target_semaphore(%run_scoped3A : memref<!tpu.dma_semaphore, #tpu.memory_space<semaphore_mem>>)
        %dma_wait3A_54 = arith.constant 0 : i32
        %dma_wait3A_55 = tpu.memref_slice %arg9[%mul3A_51, %dma_wait3A_54] : memref<10000x128xf32, #tpu.memory_space<vmem_shared>> -> memref<1000x128xf32, #tpu.memory_space<vmem_shared>>
        tpu.wait_dma2 semaphore(%run_scoped3A : memref<!tpu.dma_semaphore, #tpu.memory_space<semaphore_mem>>) src(%arg4 : memref<1000x128xf32, #tpu.memory_space<hbm>>) dst(%dma_wait3A_55 : memref<1000x128xf32, #tpu.memory_space<vmem_shared>>)
        tpu.yield
      }) : () -> ()
    } else {
    }
    %barrier3A = arith.constant 0 : index
    tpu.barrier barrier_id(%barrier3A)
    %mul3A_3 = arith.constant 20480 : i32
    %mul3A_4 = arith.muli %add3A, %mul3A_3 : i32
    %mul3A_5 = arith.constant 256 : i32
    %mul3A_6 = arith.muli %add3A, %mul3A_5 : i32
    %eq3A = arith.constant 31 : i32
    %eq3A_7 = arith.cmpi eq, %add3A, %eq3A : i32
    %jit3A = arith.constant 8 : i32
    %jit3A_8 = arith.constant 32 : i32
    %select_n3A = arith.select %eq3A_7, %jit3A, %jit3A_8 : i32
    %mul3A_9 = arith.constant 4 : i32
    %mul3A_10 = arith.muli %select_n3A, %mul3A_9 : i32
    %dma_start3A = arith.constant 0 : i32
    %dma_start3A_11 = tpu.memref_slice %arg2[%mul3A_4, %dma_start3A] : memref<640000x128xf32, #tpu.memory_space<hbm>> -> memref<160x128xf32, #tpu.memory_space<hbm>>
    %dma_start3A_12 = arith.constant 0 : i32
    %dma_start3A_13 = tpu.memref_slice %arg2[%mul3A_4, %dma_start3A_12] : memref<640000x128xf32, #tpu.memory_space<hbm>> -> memref<160x128xf32, #tpu.memory_space<hbm>>
    tpu.enqueue_dma source(%dma_start3A_13 : memref<160x128xf32, #tpu.memory_space<hbm>>) target(%arg6 : memref<160x128xf32, #tpu.memory_space<vmem>>) target_semaphore(%arg10 : memref<!tpu.dma_semaphore, #tpu.memory_space<semaphore_mem>>)
    %while3A = arith.constant 0 : i32
    %while3A_14 = arith.constant 0 : i32
    %while3A_15 = arith.subi %select_n3A, %while3A : i32
    %while3A_16 = arith.addi %while3A, %while3A_15 : i32
    %while3A_17 = arith.constant 1 : i32
    %while3A_18 = arith.divsi %while3A_15, %while3A_17 : i32
    %while3A_19 = arith.muli %while3A_18, %while3A_17 : i32
    %while3A_20 = arith.addi %while3A, %while3A_19 : i32
    %while3A_21 = arith.constant 1 : i32
    %while3A_22 = scf.for %while3A_50 = %while3A to %while3A_20 step %while3A_21 iter_args(%while3A_51 = %while3A_14) -> (i32)  : i32 {
      %gt3A = arith.constant 0 : i32
      %gt3A_52 = arith.cmpi sgt, %while3A_50, %gt3A : i32
      %convert_element_type3A_53 = arith.extui %gt3A_52 : i1 to i32
      %cond3A_54 = arith.constant 0 : i32
      %cond3A_55 = arith.cmpi ne, %convert_element_type3A_53, %cond3A_54 : i32
      scf.if %cond3A_55 {
        %dma_wait3A_256 = arith.constant 6 : i32
        %dma_wait3A_257 = arith.constant 0 : i32
        %dma_wait3A_258 = arith.constant 0 : i32
        %dma_wait3A_259 = tpu.memref_slice %arg7[%dma_wait3A_257, %dma_wait3A_258] : memref<160x128xf32, #tpu.memory_space<vmem>> -> memref<80x128xf32, #tpu.memory_space<vmem>>
        %dma_wait3A_260 = arith.constant 0 : i32
        %dma_wait3A_261 = tpu.memref_slice %arg8[%dma_wait3A_256, %dma_wait3A_260] : memref<8x80xi32, #tpu.memory_space<vmem>> -> memref<1x80xi32, #tpu.memory_space<vmem>>
        %dma_wait3A_262 = tpu.memref_squeeze %dma_wait3A_261 : memref<1x80xi32, #tpu.memory_space<vmem>> -> memref<80xi32, #tpu.memory_space<vmem>>
        %dma_wait3A_263 = arith.constant 0 : i32
        %dma_wait3A_264 = arith.constant 0 : i32
        %dma_wait3A_265 = tpu.memref_slice %arg9[%dma_wait3A_263, %dma_wait3A_264] : memref<10000x128xf32, #tpu.memory_space<vmem_shared>> -> memref<10000x128xf32, #tpu.memory_space<vmem_shared>>
        tpu.wait_indirect_dma semaphore(%arg13 : memref<!tpu.dma_semaphore, #tpu.memory_space<semaphore_mem>>) src(%dma_wait3A_259 : memref<80x128xf32, #tpu.memory_space<vmem>>) dst(%dma_wait3A_265 : memref<10000x128xf32, #tpu.memory_space<vmem_shared>>)
        %dma_wait3A_266 = arith.constant 7 : i32
        %dma_wait3A_267 = arith.constant 80 : i32
        %dma_wait3A_268 = arith.constant 0 : i32
        %dma_wait3A_269 = tpu.memref_slice %arg7[%dma_wait3A_267, %dma_wait3A_268] : memref<160x128xf32, #tpu.memory_space<vmem>> -> memref<80x128xf32, #tpu.memory_space<vmem>>
        %dma_wait3A_270 = arith.constant 0 : i32
        %dma_wait3A_271 = tpu.memref_slice %arg8[%dma_wait3A_266, %dma_wait3A_270] : memref<8x80xi32, #tpu.memory_space<vmem>> -> memref<1x80xi32, #tpu.memory_space<vmem>>
        %dma_wait3A_272 = tpu.memref_squeeze %dma_wait3A_271 : memref<1x80xi32, #tpu.memory_space<vmem>> -> memref<80xi32, #tpu.memory_space<vmem>>
        %dma_wait3A_273 = arith.constant 0 : i32
        %dma_wait3A_274 = arith.constant 0 : i32
        %dma_wait3A_275 = tpu.memref_slice %arg9[%dma_wait3A_273, %dma_wait3A_274] : memref<10000x128xf32, #tpu.memory_space<vmem_shared>> -> memref<10000x128xf32, #tpu.memory_space<vmem_shared>>
        tpu.wait_indirect_dma semaphore(%arg13 : memref<!tpu.dma_semaphore, #tpu.memory_space<semaphore_mem>>) src(%dma_wait3A_269 : memref<80x128xf32, #tpu.memory_space<vmem>>) dst(%dma_wait3A_275 : memref<10000x128xf32, #tpu.memory_space<vmem_shared>>)
      } else {
      }
      %mul3A_56 = arith.constant 8 : i32
      %mul3A_57 = arith.muli %while3A_50, %mul3A_56 : i32
      %add3A_58 = arith.addi %mul3A_6, %mul3A_57 : i32
      "tpu.region"() ({
        %run_scoped3A = tpu.sem_alloc : memref<!tpu.dma_semaphore, #tpu.memory_space<semaphore_mem>>
        %dma_start3A_256 = arith.constant 0 : i32
        %dma_start3A_257 = tpu.memref_slice %arg3[%add3A_58, %dma_start3A_256] : memref<8000x80xi32, #tpu.memory_space<hbm>> -> memref<8x80xi32, #tpu.memory_space<hbm>>
        %dma_start3A_258 = arith.constant 0 : i32
        %dma_start3A_259 = tpu.memref_slice %arg3[%add3A_58, %dma_start3A_258] : memref<8000x80xi32, #tpu.memory_space<hbm>> -> memref<8x80xi32, #tpu.memory_space<hbm>>
        tpu.enqueue_dma source(%dma_start3A_259 : memref<8x80xi32, #tpu.memory_space<hbm>>) target(%arg8 : memref<8x80xi32, #tpu.memory_space<vmem>>) target_semaphore(%run_scoped3A : memref<!tpu.dma_semaphore, #tpu.memory_space<semaphore_mem>>)
        %dma_wait3A_260 = arith.constant 0 : i32
        %dma_wait3A_261 = tpu.memref_slice %arg3[%add3A_58, %dma_wait3A_260] : memref<8000x80xi32, #tpu.memory_space<hbm>> -> memref<8x80xi32, #tpu.memory_space<hbm>>
        %dma_wait3A_262 = arith.constant 0 : i32
        %dma_wait3A_263 = tpu.memref_slice %arg3[%add3A_58, %dma_wait3A_262] : memref<8000x80xi32, #tpu.memory_space<hbm>> -> memref<8x80xi32, #tpu.memory_space<hbm>>
        tpu.wait_dma2 semaphore(%run_scoped3A : memref<!tpu.dma_semaphore, #tpu.memory_space<semaphore_mem>>) src(%dma_wait3A_263 : memref<8x80xi32, #tpu.memory_space<hbm>>) dst(%arg8 : memref<8x80xi32, #tpu.memory_space<vmem>>)
        tpu.yield
      }) : () -> ()
      %mul3A_59 = arith.constant 4 : i32
      %mul3A_60 = arith.muli %while3A_50, %mul3A_59 : i32
      %add3A_61 = arith.constant 0 : i32
      %add3A_62 = arith.addi %mul3A_60, %add3A_61 : i32
      %add3A_63 = arith.constant 1 : i32
      %add3A_64 = arith.addi %add3A_62, %add3A_63 : i32
      %lt3A_65 = arith.cmpi slt, %add3A_64, %mul3A_10 : i32
      %convert_element_type3A_66 = arith.extui %lt3A_65 : i1 to i32
      %cond3A_67 = arith.constant 0 : i32
      %cond3A_68 = arith.cmpi ne, %convert_element_type3A_66, %cond3A_67 : i32
      scf.if %cond3A_68 {
        %add3A_256 = arith.constant 1 : i32
        %add3A_257 = arith.addi %add3A_62, %add3A_256 : i32
        %mul3A_258 = arith.constant 160 : i32
        %mul3A_259 = arith.muli %add3A_257, %mul3A_258 : i32
        %add3A_260 = arith.addi %mul3A_4, %mul3A_259 : i32
        %dma_start3A_261 = arith.constant 0 : i32
        %dma_start3A_262 = tpu.memref_slice %arg2[%add3A_260, %dma_start3A_261] : memref<640000x128xf32, #tpu.memory_space<hbm>> -> memref<160x128xf32, #tpu.memory_space<hbm>>
        %dma_start3A_263 = arith.constant 0 : i32
        %dma_start3A_264 = tpu.memref_slice %arg2[%add3A_260, %dma_start3A_263] : memref<640000x128xf32, #tpu.memory_space<hbm>> -> memref<160x128xf32, #tpu.memory_space<hbm>>
        tpu.enqueue_dma source(%dma_start3A_264 : memref<160x128xf32, #tpu.memory_space<hbm>>) target(%arg7 : memref<160x128xf32, #tpu.memory_space<vmem>>) target_semaphore(%arg11 : memref<!tpu.dma_semaphore, #tpu.memory_space<semaphore_mem>>)
      } else {
      }
      %dma_wait3A_69 = arith.constant 0 : i32
      %dma_wait3A_70 = tpu.memref_slice %arg2[%mul3A_4, %dma_wait3A_69] : memref<640000x128xf32, #tpu.memory_space<hbm>> -> memref<160x128xf32, #tpu.memory_space<hbm>>
      %dma_wait3A_71 = arith.constant 0 : i32
      %dma_wait3A_72 = tpu.memref_slice %arg2[%mul3A_4, %dma_wait3A_71] : memref<640000x128xf32, #tpu.memory_space<hbm>> -> memref<160x128xf32, #tpu.memory_space<hbm>>
      tpu.wait_dma2 semaphore(%arg10 : memref<!tpu.dma_semaphore, #tpu.memory_space<semaphore_mem>>) src(%dma_wait3A_72 : memref<160x128xf32, #tpu.memory_space<hbm>>) dst(%arg6 : memref<160x128xf32, #tpu.memory_space<vmem>>)
      %dma_start3A_73 = arith.constant 0 : i32
      %dma_start3A_74 = arith.constant 0 : i32
      %dma_start3A_75 = arith.constant 0 : i32
      %dma_start3A_76 = tpu.memref_slice %arg6[%dma_start3A_74, %dma_start3A_75] : memref<160x128xf32, #tpu.memory_space<vmem>> -> memref<80x128xf32, #tpu.memory_space<vmem>>
      %dma_start3A_77 = arith.constant 0 : i32
      %dma_start3A_78 = tpu.memref_slice %arg8[%dma_start3A_73, %dma_start3A_77] : memref<8x80xi32, #tpu.memory_space<vmem>> -> memref<1x80xi32, #tpu.memory_space<vmem>>
      %dma_start3A_79 = tpu.memref_squeeze %dma_start3A_78 : memref<1x80xi32, #tpu.memory_space<vmem>> -> memref<80xi32, #tpu.memory_space<vmem>>
      %dma_start3A_80 = arith.constant 0 : i32
      %dma_start3A_81 = arith.constant 0 : i32
      %dma_start3A_82 = tpu.memref_slice %arg9[%dma_start3A_80, %dma_start3A_81] : memref<10000x128xf32, #tpu.memory_space<vmem_shared>> -> memref<10000x128xf32, #tpu.memory_space<vmem_shared>>
      tpu.enqueue_indirect_dma source(%dma_start3A_76 : memref<80x128xf32, #tpu.memory_space<vmem>>) target(%dma_start3A_82 : memref<10000x128xf32, #tpu.memory_space<vmem_shared>>) offsets(%dma_start3A_79 : memref<80xi32, #tpu.memory_space<vmem>>) semaphore(%arg12 : memref<!tpu.dma_semaphore, #tpu.memory_space<semaphore_mem>>) {add = true}
      %dma_start3A_83 = arith.constant 1 : i32
      %dma_start3A_84 = arith.constant 80 : i32
      %dma_start3A_85 = arith.constant 0 : i32
      %dma_start3A_86 = tpu.memref_slice %arg6[%dma_start3A_84, %dma_start3A_85] : memref<160x128xf32, #tpu.memory_space<vmem>> -> memref<80x128xf32, #tpu.memory_space<vmem>>
      %dma_start3A_87 = arith.constant 0 : i32
      %dma_start3A_88 = tpu.memref_slice %arg8[%dma_start3A_83, %dma_start3A_87] : memref<8x80xi32, #tpu.memory_space<vmem>> -> memref<1x80xi32, #tpu.memory_space<vmem>>
      %dma_start3A_89 = tpu.memref_squeeze %dma_start3A_88 : memref<1x80xi32, #tpu.memory_space<vmem>> -> memref<80xi32, #tpu.memory_space<vmem>>
      %dma_start3A_90 = arith.constant 0 : i32
      %dma_start3A_91 = arith.constant 0 : i32
      %dma_start3A_92 = tpu.memref_slice %arg9[%dma_start3A_90, %dma_start3A_91] : memref<10000x128xf32, #tpu.memory_space<vmem_shared>> -> memref<10000x128xf32, #tpu.memory_space<vmem_shared>>
      tpu.enqueue_indirect_dma source(%dma_start3A_86 : memref<80x128xf32, #tpu.memory_space<vmem>>) target(%dma_start3A_92 : memref<10000x128xf32, #tpu.memory_space<vmem_shared>>) offsets(%dma_start3A_89 : memref<80xi32, #tpu.memory_space<vmem>>) semaphore(%arg12 : memref<!tpu.dma_semaphore, #tpu.memory_space<semaphore_mem>>) {add = true}
      %mul3A_93 = arith.constant 4 : i32
      %mul3A_94 = arith.muli %while3A_50, %mul3A_93 : i32
      %add3A_95 = arith.constant 1 : i32
      %add3A_96 = arith.addi %mul3A_94, %add3A_95 : i32
      %dma_wait3A_97 = arith.constant 0 : i32
      %dma_wait3A_98 = arith.constant 0 : i32
      %dma_wait3A_99 = arith.constant 0 : i32
      %dma_wait3A_100 = tpu.memref_slice %arg6[%dma_wait3A_98, %dma_wait3A_99] : memref<160x128xf32, #tpu.memory_space<vmem>> -> memref<80x128xf32, #tpu.memory_space<vmem>>
      %dma_wait3A_101 = arith.constant 0 : i32
      %dma_wait3A_102 = tpu.memref_slice %arg8[%dma_wait3A_97, %dma_wait3A_101] : memref<8x80xi32, #tpu.memory_space<vmem>> -> memref<1x80xi32, #tpu.memory_space<vmem>>
      %dma_wait3A_103 = tpu.memref_squeeze %dma_wait3A_102 : memref<1x80xi32, #tpu.memory_space<vmem>> -> memref<80xi32, #tpu.memory_space<vmem>>
      %dma_wait3A_104 = arith.constant 0 : i32
      %dma_wait3A_105 = arith.constant 0 : i32
      %dma_wait3A_106 = tpu.memref_slice %arg9[%dma_wait3A_104, %dma_wait3A_105] : memref<10000x128xf32, #tpu.memory_space<vmem_shared>> -> memref<10000x128xf32, #tpu.memory_space<vmem_shared>>
      tpu.wait_indirect_dma semaphore(%arg12 : memref<!tpu.dma_semaphore, #tpu.memory_space<semaphore_mem>>) src(%dma_wait3A_100 : memref<80x128xf32, #tpu.memory_space<vmem>>) dst(%dma_wait3A_106 : memref<10000x128xf32, #tpu.memory_space<vmem_shared>>)
      %dma_wait3A_107 = arith.constant 1 : i32
      %dma_wait3A_108 = arith.constant 80 : i32
      %dma_wait3A_109 = arith.constant 0 : i32
      %dma_wait3A_110 = tpu.memref_slice %arg6[%dma_wait3A_108, %dma_wait3A_109] : memref<160x128xf32, #tpu.memory_space<vmem>> -> memref<80x128xf32, #tpu.memory_space<vmem>>
      %dma_wait3A_111 = arith.constant 0 : i32
      %dma_wait3A_112 = tpu.memref_slice %arg8[%dma_wait3A_107, %dma_wait3A_111] : memref<8x80xi32, #tpu.memory_space<vmem>> -> memref<1x80xi32, #tpu.memory_space<vmem>>
      %dma_wait3A_113 = tpu.memref_squeeze %dma_wait3A_112 : memref<1x80xi32, #tpu.memory_space<vmem>> -> memref<80xi32, #tpu.memory_space<vmem>>
      %dma_wait3A_114 = arith.constant 0 : i32
      %dma_wait3A_115 = arith.constant 0 : i32
      %dma_wait3A_116 = tpu.memref_slice %arg9[%dma_wait3A_114, %dma_wait3A_115] : memref<10000x128xf32, #tpu.memory_space<vmem_shared>> -> memref<10000x128xf32, #tpu.memory_space<vmem_shared>>
      tpu.wait_indirect_dma semaphore(%arg12 : memref<!tpu.dma_semaphore, #tpu.memory_space<semaphore_mem>>) src(%dma_wait3A_110 : memref<80x128xf32, #tpu.memory_space<vmem>>) dst(%dma_wait3A_116 : memref<10000x128xf32, #tpu.memory_space<vmem_shared>>)
      %add3A_117 = arith.constant 1 : i32
      %add3A_118 = arith.addi %add3A_96, %add3A_117 : i32
      %lt3A_119 = arith.cmpi slt, %add3A_118, %mul3A_10 : i32
      %convert_element_type3A_120 = arith.extui %lt3A_119 : i1 to i32
      %cond3A_121 = arith.constant 0 : i32
      %cond3A_122 = arith.cmpi ne, %convert_element_type3A_120, %cond3A_121 : i32
      scf.if %cond3A_122 {
        %add3A_256 = arith.constant 1 : i32
        %add3A_257 = arith.addi %add3A_96, %add3A_256 : i32
        %mul3A_258 = arith.constant 160 : i32
        %mul3A_259 = arith.muli %add3A_257, %mul3A_258 : i32
        %add3A_260 = arith.addi %mul3A_4, %mul3A_259 : i32
        %dma_start3A_261 = arith.constant 0 : i32
        %dma_start3A_262 = tpu.memref_slice %arg2[%add3A_260, %dma_start3A_261] : memref<640000x128xf32, #tpu.memory_space<hbm>> -> memref<160x128xf32, #tpu.memory_space<hbm>>
        %dma_start3A_263 = arith.constant 0 : i32
        %dma_start3A_264 = tpu.memref_slice %arg2[%add3A_260, %dma_start3A_263] : memref<640000x128xf32, #tpu.memory_space<hbm>> -> memref<160x128xf32, #tpu.memory_space<hbm>>
        tpu.enqueue_dma source(%dma_start3A_264 : memref<160x128xf32, #tpu.memory_space<hbm>>) target(%arg6 : memref<160x128xf32, #tpu.memory_space<vmem>>) target_semaphore(%arg10 : memref<!tpu.dma_semaphore, #tpu.memory_space<semaphore_mem>>)
      } else {
      }
      %dma_wait3A_123 = arith.constant 0 : i32
      %dma_wait3A_124 = tpu.memref_slice %arg2[%mul3A_4, %dma_wait3A_123] : memref<640000x128xf32, #tpu.memory_space<hbm>> -> memref<160x128xf32, #tpu.memory_space<hbm>>
      %dma_wait3A_125 = arith.constant 0 : i32
      %dma_wait3A_126 = tpu.memref_slice %arg2[%mul3A_4, %dma_wait3A_125] : memref<640000x128xf32, #tpu.memory_space<hbm>> -> memref<160x128xf32, #tpu.memory_space<hbm>>
      tpu.wait_dma2 semaphore(%arg11 : memref<!tpu.dma_semaphore, #tpu.memory_space<semaphore_mem>>) src(%dma_wait3A_126 : memref<160x128xf32, #tpu.memory_space<hbm>>) dst(%arg7 : memref<160x128xf32, #tpu.memory_space<vmem>>)
      %dma_start3A_127 = arith.constant 2 : i32
      %dma_start3A_128 = arith.constant 0 : i32
      %dma_start3A_129 = arith.constant 0 : i32
      %dma_start3A_130 = tpu.memref_slice %arg7[%dma_start3A_128, %dma_start3A_129] : memref<160x128xf32, #tpu.memory_space<vmem>> -> memref<80x128xf32, #tpu.memory_space<vmem>>
      %dma_start3A_131 = arith.constant 0 : i32
      %dma_start3A_132 = tpu.memref_slice %arg8[%dma_start3A_127, %dma_start3A_131] : memref<8x80xi32, #tpu.memory_space<vmem>> -> memref<1x80xi32, #tpu.memory_space<vmem>>
      %dma_start3A_133 = tpu.memref_squeeze %dma_start3A_132 : memref<1x80xi32, #tpu.memory_space<vmem>> -> memref<80xi32, #tpu.memory_space<vmem>>
      %dma_start3A_134 = arith.constant 0 : i32
      %dma_start3A_135 = arith.constant 0 : i32
      %dma_start3A_136 = tpu.memref_slice %arg9[%dma_start3A_134, %dma_start3A_135] : memref<10000x128xf32, #tpu.memory_space<vmem_shared>> -> memref<10000x128xf32, #tpu.memory_space<vmem_shared>>
      tpu.enqueue_indirect_dma source(%dma_start3A_130 : memref<80x128xf32, #tpu.memory_space<vmem>>) target(%dma_start3A_136 : memref<10000x128xf32, #tpu.memory_space<vmem_shared>>) offsets(%dma_start3A_133 : memref<80xi32, #tpu.memory_space<vmem>>) semaphore(%arg13 : memref<!tpu.dma_semaphore, #tpu.memory_space<semaphore_mem>>) {add = true}
      %dma_start3A_137 = arith.constant 3 : i32
      %dma_start3A_138 = arith.constant 80 : i32
      %dma_start3A_139 = arith.constant 0 : i32
      %dma_start3A_140 = tpu.memref_slice %arg7[%dma_start3A_138, %dma_start3A_139] : memref<160x128xf32, #tpu.memory_space<vmem>> -> memref<80x128xf32, #tpu.memory_space<vmem>>
      %dma_start3A_141 = arith.constant 0 : i32
      %dma_start3A_142 = tpu.memref_slice %arg8[%dma_start3A_137, %dma_start3A_141] : memref<8x80xi32, #tpu.memory_space<vmem>> -> memref<1x80xi32, #tpu.memory_space<vmem>>
      %dma_start3A_143 = tpu.memref_squeeze %dma_start3A_142 : memref<1x80xi32, #tpu.memory_space<vmem>> -> memref<80xi32, #tpu.memory_space<vmem>>
      %dma_start3A_144 = arith.constant 0 : i32
      %dma_start3A_145 = arith.constant 0 : i32
      %dma_start3A_146 = tpu.memref_slice %arg9[%dma_start3A_144, %dma_start3A_145] : memref<10000x128xf32, #tpu.memory_space<vmem_shared>> -> memref<10000x128xf32, #tpu.memory_space<vmem_shared>>
      tpu.enqueue_indirect_dma source(%dma_start3A_140 : memref<80x128xf32, #tpu.memory_space<vmem>>) target(%dma_start3A_146 : memref<10000x128xf32, #tpu.memory_space<vmem_shared>>) offsets(%dma_start3A_143 : memref<80xi32, #tpu.memory_space<vmem>>) semaphore(%arg13 : memref<!tpu.dma_semaphore, #tpu.memory_space<semaphore_mem>>) {add = true}
      %mul3A_147 = arith.constant 4 : i32
      %mul3A_148 = arith.muli %while3A_50, %mul3A_147 : i32
      %add3A_149 = arith.constant 2 : i32
      %add3A_150 = arith.addi %mul3A_148, %add3A_149 : i32
      %dma_wait3A_151 = arith.constant 2 : i32
      %dma_wait3A_152 = arith.constant 0 : i32
      %dma_wait3A_153 = arith.constant 0 : i32
      %dma_wait3A_154 = tpu.memref_slice %arg7[%dma_wait3A_152, %dma_wait3A_153] : memref<160x128xf32, #tpu.memory_space<vmem>> -> memref<80x128xf32, #tpu.memory_space<vmem>>
      %dma_wait3A_155 = arith.constant 0 : i32
      %dma_wait3A_156 = tpu.memref_slice %arg8[%dma_wait3A_151, %dma_wait3A_155] : memref<8x80xi32, #tpu.memory_space<vmem>> -> memref<1x80xi32, #tpu.memory_space<vmem>>
      %dma_wait3A_157 = tpu.memref_squeeze %dma_wait3A_156 : memref<1x80xi32, #tpu.memory_space<vmem>> -> memref<80xi32, #tpu.memory_space<vmem>>
      %dma_wait3A_158 = arith.constant 0 : i32
      %dma_wait3A_159 = arith.constant 0 : i32
      %dma_wait3A_160 = tpu.memref_slice %arg9[%dma_wait3A_158, %dma_wait3A_159] : memref<10000x128xf32, #tpu.memory_space<vmem_shared>> -> memref<10000x128xf32, #tpu.memory_space<vmem_shared>>
      tpu.wait_indirect_dma semaphore(%arg13 : memref<!tpu.dma_semaphore, #tpu.memory_space<semaphore_mem>>) src(%dma_wait3A_154 : memref<80x128xf32, #tpu.memory_space<vmem>>) dst(%dma_wait3A_160 : memref<10000x128xf32, #tpu.memory_space<vmem_shared>>)
      %dma_wait3A_161 = arith.constant 3 : i32
      %dma_wait3A_162 = arith.constant 80 : i32
      %dma_wait3A_163 = arith.constant 0 : i32
      %dma_wait3A_164 = tpu.memref_slice %arg7[%dma_wait3A_162, %dma_wait3A_163] : memref<160x128xf32, #tpu.memory_space<vmem>> -> memref<80x128xf32, #tpu.memory_space<vmem>>
      %dma_wait3A_165 = arith.constant 0 : i32
      %dma_wait3A_166 = tpu.memref_slice %arg8[%dma_wait3A_161, %dma_wait3A_165] : memref<8x80xi32, #tpu.memory_space<vmem>> -> memref<1x80xi32, #tpu.memory_space<vmem>>
      %dma_wait3A_167 = tpu.memref_squeeze %dma_wait3A_166 : memref<1x80xi32, #tpu.memory_space<vmem>> -> memref<80xi32, #tpu.memory_space<vmem>>
      %dma_wait3A_168 = arith.constant 0 : i32
      %dma_wait3A_169 = arith.constant 0 : i32
      %dma_wait3A_170 = tpu.memref_slice %arg9[%dma_wait3A_168, %dma_wait3A_169] : memref<10000x128xf32, #tpu.memory_space<vmem_shared>> -> memref<10000x128xf32, #tpu.memory_space<vmem_shared>>
      tpu.wait_indirect_dma semaphore(%arg13 : memref<!tpu.dma_semaphore, #tpu.memory_space<semaphore_mem>>) src(%dma_wait3A_164 : memref<80x128xf32, #tpu.memory_space<vmem>>) dst(%dma_wait3A_170 : memref<10000x128xf32, #tpu.memory_space<vmem_shared>>)
      %add3A_171 = arith.constant 1 : i32
      %add3A_172 = arith.addi %add3A_150, %add3A_171 : i32
      %lt3A_173 = arith.cmpi slt, %add3A_172, %mul3A_10 : i32
      %convert_element_type3A_174 = arith.extui %lt3A_173 : i1 to i32
      %cond3A_175 = arith.constant 0 : i32
      %cond3A_176 = arith.cmpi ne, %convert_element_type3A_174, %cond3A_175 : i32
      scf.if %cond3A_176 {
        %add3A_256 = arith.constant 1 : i32
        %add3A_257 = arith.addi %add3A_150, %add3A_256 : i32
        %mul3A_258 = arith.constant 160 : i32
        %mul3A_259 = arith.muli %add3A_257, %mul3A_258 : i32
        %add3A_260 = arith.addi %mul3A_4, %mul3A_259 : i32
        %dma_start3A_261 = arith.constant 0 : i32
        %dma_start3A_262 = tpu.memref_slice %arg2[%add3A_260, %dma_start3A_261] : memref<640000x128xf32, #tpu.memory_space<hbm>> -> memref<160x128xf32, #tpu.memory_space<hbm>>
        %dma_start3A_263 = arith.constant 0 : i32
        %dma_start3A_264 = tpu.memref_slice %arg2[%add3A_260, %dma_start3A_263] : memref<640000x128xf32, #tpu.memory_space<hbm>> -> memref<160x128xf32, #tpu.memory_space<hbm>>
        tpu.enqueue_dma source(%dma_start3A_264 : memref<160x128xf32, #tpu.memory_space<hbm>>) target(%arg7 : memref<160x128xf32, #tpu.memory_space<vmem>>) target_semaphore(%arg11 : memref<!tpu.dma_semaphore, #tpu.memory_space<semaphore_mem>>)
      } else {
      }
      %dma_wait3A_177 = arith.constant 0 : i32
      %dma_wait3A_178 = tpu.memref_slice %arg2[%mul3A_4, %dma_wait3A_177] : memref<640000x128xf32, #tpu.memory_space<hbm>> -> memref<160x128xf32, #tpu.memory_space<hbm>>
      %dma_wait3A_179 = arith.constant 0 : i32
      %dma_wait3A_180 = tpu.memref_slice %arg2[%mul3A_4, %dma_wait3A_179] : memref<640000x128xf32, #tpu.memory_space<hbm>> -> memref<160x128xf32, #tpu.memory_space<hbm>>
      tpu.wait_dma2 semaphore(%arg10 : memref<!tpu.dma_semaphore, #tpu.memory_space<semaphore_mem>>) src(%dma_wait3A_180 : memref<160x128xf32, #tpu.memory_space<hbm>>) dst(%arg6 : memref<160x128xf32, #tpu.memory_space<vmem>>)
      %dma_start3A_181 = arith.constant 4 : i32
      %dma_start3A_182 = arith.constant 0 : i32
      %dma_start3A_183 = arith.constant 0 : i32
      %dma_start3A_184 = tpu.memref_slice %arg6[%dma_start3A_182, %dma_start3A_183] : memref<160x128xf32, #tpu.memory_space<vmem>> -> memref<80x128xf32, #tpu.memory_space<vmem>>
      %dma_start3A_185 = arith.constant 0 : i32
      %dma_start3A_186 = tpu.memref_slice %arg8[%dma_start3A_181, %dma_start3A_185] : memref<8x80xi32, #tpu.memory_space<vmem>> -> memref<1x80xi32, #tpu.memory_space<vmem>>
      %dma_start3A_187 = tpu.memref_squeeze %dma_start3A_186 : memref<1x80xi32, #tpu.memory_space<vmem>> -> memref<80xi32, #tpu.memory_space<vmem>>
      %dma_start3A_188 = arith.constant 0 : i32
      %dma_start3A_189 = arith.constant 0 : i32
      %dma_start3A_190 = tpu.memref_slice %arg9[%dma_start3A_188, %dma_start3A_189] : memref<10000x128xf32, #tpu.memory_space<vmem_shared>> -> memref<10000x128xf32, #tpu.memory_space<vmem_shared>>
      tpu.enqueue_indirect_dma source(%dma_start3A_184 : memref<80x128xf32, #tpu.memory_space<vmem>>) target(%dma_start3A_190 : memref<10000x128xf32, #tpu.memory_space<vmem_shared>>) offsets(%dma_start3A_187 : memref<80xi32, #tpu.memory_space<vmem>>) semaphore(%arg12 : memref<!tpu.dma_semaphore, #tpu.memory_space<semaphore_mem>>) {add = true}
      %dma_start3A_191 = arith.constant 5 : i32
      %dma_start3A_192 = arith.constant 80 : i32
      %dma_start3A_193 = arith.constant 0 : i32
      %dma_start3A_194 = tpu.memref_slice %arg6[%dma_start3A_192, %dma_start3A_193] : memref<160x128xf32, #tpu.memory_space<vmem>> -> memref<80x128xf32, #tpu.memory_space<vmem>>
      %dma_start3A_195 = arith.constant 0 : i32
      %dma_start3A_196 = tpu.memref_slice %arg8[%dma_start3A_191, %dma_start3A_195] : memref<8x80xi32, #tpu.memory_space<vmem>> -> memref<1x80xi32, #tpu.memory_space<vmem>>
      %dma_start3A_197 = tpu.memref_squeeze %dma_start3A_196 : memref<1x80xi32, #tpu.memory_space<vmem>> -> memref<80xi32, #tpu.memory_space<vmem>>
      %dma_start3A_198 = arith.constant 0 : i32
      %dma_start3A_199 = arith.constant 0 : i32
      %dma_start3A_200 = tpu.memref_slice %arg9[%dma_start3A_198, %dma_start3A_199] : memref<10000x128xf32, #tpu.memory_space<vmem_shared>> -> memref<10000x128xf32, #tpu.memory_space<vmem_shared>>
      tpu.enqueue_indirect_dma source(%dma_start3A_194 : memref<80x128xf32, #tpu.memory_space<vmem>>) target(%dma_start3A_200 : memref<10000x128xf32, #tpu.memory_space<vmem_shared>>) offsets(%dma_start3A_197 : memref<80xi32, #tpu.memory_space<vmem>>) semaphore(%arg12 : memref<!tpu.dma_semaphore, #tpu.memory_space<semaphore_mem>>) {add = true}
      %mul3A_201 = arith.constant 4 : i32
      %mul3A_202 = arith.muli %while3A_50, %mul3A_201 : i32
      %add3A_203 = arith.constant 3 : i32
      %add3A_204 = arith.addi %mul3A_202, %add3A_203 : i32
      %dma_wait3A_205 = arith.constant 4 : i32
      %dma_wait3A_206 = arith.constant 0 : i32
      %dma_wait3A_207 = arith.constant 0 : i32
      %dma_wait3A_208 = tpu.memref_slice %arg6[%dma_wait3A_206, %dma_wait3A_207] : memref<160x128xf32, #tpu.memory_space<vmem>> -> memref<80x128xf32, #tpu.memory_space<vmem>>
      %dma_wait3A_209 = arith.constant 0 : i32
      %dma_wait3A_210 = tpu.memref_slice %arg8[%dma_wait3A_205, %dma_wait3A_209] : memref<8x80xi32, #tpu.memory_space<vmem>> -> memref<1x80xi32, #tpu.memory_space<vmem>>
      %dma_wait3A_211 = tpu.memref_squeeze %dma_wait3A_210 : memref<1x80xi32, #tpu.memory_space<vmem>> -> memref<80xi32, #tpu.memory_space<vmem>>
      %dma_wait3A_212 = arith.constant 0 : i32
      %dma_wait3A_213 = arith.constant 0 : i32
      %dma_wait3A_214 = tpu.memref_slice %arg9[%dma_wait3A_212, %dma_wait3A_213] : memref<10000x128xf32, #tpu.memory_space<vmem_shared>> -> memref<10000x128xf32, #tpu.memory_space<vmem_shared>>
      tpu.wait_indirect_dma semaphore(%arg12 : memref<!tpu.dma_semaphore, #tpu.memory_space<semaphore_mem>>) src(%dma_wait3A_208 : memref<80x128xf32, #tpu.memory_space<vmem>>) dst(%dma_wait3A_214 : memref<10000x128xf32, #tpu.memory_space<vmem_shared>>)
      %dma_wait3A_215 = arith.constant 5 : i32
      %dma_wait3A_216 = arith.constant 80 : i32
      %dma_wait3A_217 = arith.constant 0 : i32
      %dma_wait3A_218 = tpu.memref_slice %arg6[%dma_wait3A_216, %dma_wait3A_217] : memref<160x128xf32, #tpu.memory_space<vmem>> -> memref<80x128xf32, #tpu.memory_space<vmem>>
      %dma_wait3A_219 = arith.constant 0 : i32
      %dma_wait3A_220 = tpu.memref_slice %arg8[%dma_wait3A_215, %dma_wait3A_219] : memref<8x80xi32, #tpu.memory_space<vmem>> -> memref<1x80xi32, #tpu.memory_space<vmem>>
      %dma_wait3A_221 = tpu.memref_squeeze %dma_wait3A_220 : memref<1x80xi32, #tpu.memory_space<vmem>> -> memref<80xi32, #tpu.memory_space<vmem>>
      %dma_wait3A_222 = arith.constant 0 : i32
      %dma_wait3A_223 = arith.constant 0 : i32
      %dma_wait3A_224 = tpu.memref_slice %arg9[%dma_wait3A_222, %dma_wait3A_223] : memref<10000x128xf32, #tpu.memory_space<vmem_shared>> -> memref<10000x128xf32, #tpu.memory_space<vmem_shared>>
      tpu.wait_indirect_dma semaphore(%arg12 : memref<!tpu.dma_semaphore, #tpu.memory_space<semaphore_mem>>) src(%dma_wait3A_218 : memref<80x128xf32, #tpu.memory_space<vmem>>) dst(%dma_wait3A_224 : memref<10000x128xf32, #tpu.memory_space<vmem_shared>>)
      %add3A_225 = arith.constant 1 : i32
      %add3A_226 = arith.addi %add3A_204, %add3A_225 : i32
      %lt3A_227 = arith.cmpi slt, %add3A_226, %mul3A_10 : i32
      %convert_element_type3A_228 = arith.extui %lt3A_227 : i1 to i32
      %cond3A_229 = arith.constant 0 : i32
      %cond3A_230 = arith.cmpi ne, %convert_element_type3A_228, %cond3A_229 : i32
      scf.if %cond3A_230 {
        %add3A_256 = arith.constant 1 : i32
        %add3A_257 = arith.addi %add3A_204, %add3A_256 : i32
        %mul3A_258 = arith.constant 160 : i32
        %mul3A_259 = arith.muli %add3A_257, %mul3A_258 : i32
        %add3A_260 = arith.addi %mul3A_4, %mul3A_259 : i32
        %dma_start3A_261 = arith.constant 0 : i32
        %dma_start3A_262 = tpu.memref_slice %arg2[%add3A_260, %dma_start3A_261] : memref<640000x128xf32, #tpu.memory_space<hbm>> -> memref<160x128xf32, #tpu.memory_space<hbm>>
        %dma_start3A_263 = arith.constant 0 : i32
        %dma_start3A_264 = tpu.memref_slice %arg2[%add3A_260, %dma_start3A_263] : memref<640000x128xf32, #tpu.memory_space<hbm>> -> memref<160x128xf32, #tpu.memory_space<hbm>>
        tpu.enqueue_dma source(%dma_start3A_264 : memref<160x128xf32, #tpu.memory_space<hbm>>) target(%arg6 : memref<160x128xf32, #tpu.memory_space<vmem>>) target_semaphore(%arg10 : memref<!tpu.dma_semaphore, #tpu.memory_space<semaphore_mem>>)
      } else {
      }
      %dma_wait3A_231 = arith.constant 0 : i32
      %dma_wait3A_232 = tpu.memref_slice %arg2[%mul3A_4, %dma_wait3A_231] : memref<640000x128xf32, #tpu.memory_space<hbm>> -> memref<160x128xf32, #tpu.memory_space<hbm>>
      %dma_wait3A_233 = arith.constant 0 : i32
      %dma_wait3A_234 = tpu.memref_slice %arg2[%mul3A_4, %dma_wait3A_233] : memref<640000x128xf32, #tpu.memory_space<hbm>> -> memref<160x128xf32, #tpu.memory_space<hbm>>
      tpu.wait_dma2 semaphore(%arg11 : memref<!tpu.dma_semaphore, #tpu.memory_space<semaphore_mem>>) src(%dma_wait3A_234 : memref<160x128xf32, #tpu.memory_space<hbm>>) dst(%arg7 : memref<160x128xf32, #tpu.memory_space<vmem>>)
      %dma_start3A_235 = arith.constant 6 : i32
      %dma_start3A_236 = arith.constant 0 : i32
      %dma_start3A_237 = arith.constant 0 : i32
      %dma_start3A_238 = tpu.memref_slice %arg7[%dma_start3A_236, %dma_start3A_237] : memref<160x128xf32, #tpu.memory_space<vmem>> -> memref<80x128xf32, #tpu.memory_space<vmem>>
      %dma_start3A_239 = arith.constant 0 : i32
      %dma_start3A_240 = tpu.memref_slice %arg8[%dma_start3A_235, %dma_start3A_239] : memref<8x80xi32, #tpu.memory_space<vmem>> -> memref<1x80xi32, #tpu.memory_space<vmem>>
      %dma_start3A_241 = tpu.memref_squeeze %dma_start3A_240 : memref<1x80xi32, #tpu.memory_space<vmem>> -> memref<80xi32, #tpu.memory_space<vmem>>
      %dma_start3A_242 = arith.constant 0 : i32
      %dma_start3A_243 = arith.constant 0 : i32
      %dma_start3A_244 = tpu.memref_slice %arg9[%dma_start3A_242, %dma_start3A_243] : memref<10000x128xf32, #tpu.memory_space<vmem_shared>> -> memref<10000x128xf32, #tpu.memory_space<vmem_shared>>
      tpu.enqueue_indirect_dma source(%dma_start3A_238 : memref<80x128xf32, #tpu.memory_space<vmem>>) target(%dma_start3A_244 : memref<10000x128xf32, #tpu.memory_space<vmem_shared>>) offsets(%dma_start3A_241 : memref<80xi32, #tpu.memory_space<vmem>>) semaphore(%arg13 : memref<!tpu.dma_semaphore, #tpu.memory_space<semaphore_mem>>) {add = true}
      %dma_start3A_245 = arith.constant 7 : i32
      %dma_start3A_246 = arith.constant 80 : i32
      %dma_start3A_247 = arith.constant 0 : i32
      %dma_start3A_248 = tpu.memref_slice %arg7[%dma_start3A_246, %dma_start3A_247] : memref<160x128xf32, #tpu.memory_space<vmem>> -> memref<80x128xf32, #tpu.memory_space<vmem>>
      %dma_start3A_249 = arith.constant 0 : i32
      %dma_start3A_250 = tpu.memref_slice %arg8[%dma_start3A_245, %dma_start3A_249] : memref<8x80xi32, #tpu.memory_space<vmem>> -> memref<1x80xi32, #tpu.memory_space<vmem>>
      %dma_start3A_251 = tpu.memref_squeeze %dma_start3A_250 : memref<1x80xi32, #tpu.memory_space<vmem>> -> memref<80xi32, #tpu.memory_space<vmem>>
      %dma_start3A_252 = arith.constant 0 : i32
      %dma_start3A_253 = arith.constant 0 : i32
      %dma_start3A_254 = tpu.memref_slice %arg9[%dma_start3A_252, %dma_start3A_253] : memref<10000x128xf32, #tpu.memory_space<vmem_shared>> -> memref<10000x128xf32, #tpu.memory_space<vmem_shared>>
      tpu.enqueue_indirect_dma source(%dma_start3A_248 : memref<80x128xf32, #tpu.memory_space<vmem>>) target(%dma_start3A_254 : memref<10000x128xf32, #tpu.memory_space<vmem_shared>>) offsets(%dma_start3A_251 : memref<80xi32, #tpu.memory_space<vmem>>) semaphore(%arg13 : memref<!tpu.dma_semaphore, #tpu.memory_space<semaphore_mem>>) {add = true}
      %while3A_255 = arith.constant 0 : i32
      scf.yield %while3A_255 : i32
    }
    %while3A_23 = arith.constant 1 : i32
    %while3A_24 = scf.for %while3A_50 = %while3A_20 to %while3A_16 step %while3A_23 iter_args(%while3A_51 = %while3A_22) -> (i32)  : i32 {
      %gt3A = arith.constant 0 : i32
      %gt3A_52 = arith.cmpi sgt, %while3A_50, %gt3A : i32
      %convert_element_type3A_53 = arith.extui %gt3A_52 : i1 to i32
      %cond3A_54 = arith.constant 0 : i32
      %cond3A_55 = arith.cmpi ne, %convert_element_type3A_53, %cond3A_54 : i32
      scf.if %cond3A_55 {
        %dma_wait3A_256 = arith.constant 6 : i32
        %dma_wait3A_257 = arith.constant 0 : i32
        %dma_wait3A_258 = arith.constant 0 : i32
        %dma_wait3A_259 = tpu.memref_slice %arg7[%dma_wait3A_257, %dma_wait3A_258] : memref<160x128xf32, #tpu.memory_space<vmem>> -> memref<80x128xf32, #tpu.memory_space<vmem>>
        %dma_wait3A_260 = arith.constant 0 : i32
        %dma_wait3A_261 = tpu.memref_slice %arg8[%dma_wait3A_256, %dma_wait3A_260] : memref<8x80xi32, #tpu.memory_space<vmem>> -> memref<1x80xi32, #tpu.memory_space<vmem>>
        %dma_wait3A_262 = tpu.memref_squeeze %dma_wait3A_261 : memref<1x80xi32, #tpu.memory_space<vmem>> -> memref<80xi32, #tpu.memory_space<vmem>>
        %dma_wait3A_263 = arith.constant 0 : i32
        %dma_wait3A_264 = arith.constant 0 : i32
        %dma_wait3A_265 = tpu.memref_slice %arg9[%dma_wait3A_263, %dma_wait3A_264] : memref<10000x128xf32, #tpu.memory_space<vmem_shared>> -> memref<10000x128xf32, #tpu.memory_space<vmem_shared>>
        tpu.wait_indirect_dma semaphore(%arg13 : memref<!tpu.dma_semaphore, #tpu.memory_space<semaphore_mem>>) src(%dma_wait3A_259 : memref<80x128xf32, #tpu.memory_space<vmem>>) dst(%dma_wait3A_265 : memref<10000x128xf32, #tpu.memory_space<vmem_shared>>)
        %dma_wait3A_266 = arith.constant 7 : i32
        %dma_wait3A_267 = arith.constant 80 : i32
        %dma_wait3A_268 = arith.constant 0 : i32
        %dma_wait3A_269 = tpu.memref_slice %arg7[%dma_wait3A_267, %dma_wait3A_268] : memref<160x128xf32, #tpu.memory_space<vmem>> -> memref<80x128xf32, #tpu.memory_space<vmem>>
        %dma_wait3A_270 = arith.constant 0 : i32
        %dma_wait3A_271 = tpu.memref_slice %arg8[%dma_wait3A_266, %dma_wait3A_270] : memref<8x80xi32, #tpu.memory_space<vmem>> -> memref<1x80xi32, #tpu.memory_space<vmem>>
        %dma_wait3A_272 = tpu.memref_squeeze %dma_wait3A_271 : memref<1x80xi32, #tpu.memory_space<vmem>> -> memref<80xi32, #tpu.memory_space<vmem>>
        %dma_wait3A_273 = arith.constant 0 : i32
        %dma_wait3A_274 = arith.constant 0 : i32
        %dma_wait3A_275 = tpu.memref_slice %arg9[%dma_wait3A_273, %dma_wait3A_274] : memref<10000x128xf32, #tpu.memory_space<vmem_shared>> -> memref<10000x128xf32, #tpu.memory_space<vmem_shared>>
        tpu.wait_indirect_dma semaphore(%arg13 : memref<!tpu.dma_semaphore, #tpu.memory_space<semaphore_mem>>) src(%dma_wait3A_269 : memref<80x128xf32, #tpu.memory_space<vmem>>) dst(%dma_wait3A_275 : memref<10000x128xf32, #tpu.memory_space<vmem_shared>>)
      } else {
      }
      %mul3A_56 = arith.constant 8 : i32
      %mul3A_57 = arith.muli %while3A_50, %mul3A_56 : i32
      %add3A_58 = arith.addi %mul3A_6, %mul3A_57 : i32
      "tpu.region"() ({
        %run_scoped3A = tpu.sem_alloc : memref<!tpu.dma_semaphore, #tpu.memory_space<semaphore_mem>>
        %dma_start3A_256 = arith.constant 0 : i32
        %dma_start3A_257 = tpu.memref_slice %arg3[%add3A_58, %dma_start3A_256] : memref<8000x80xi32, #tpu.memory_space<hbm>> -> memref<8x80xi32, #tpu.memory_space<hbm>>
        %dma_start3A_258 = arith.constant 0 : i32
        %dma_start3A_259 = tpu.memref_slice %arg3[%add3A_58, %dma_start3A_258] : memref<8000x80xi32, #tpu.memory_space<hbm>> -> memref<8x80xi32, #tpu.memory_space<hbm>>
        tpu.enqueue_dma source(%dma_start3A_259 : memref<8x80xi32, #tpu.memory_space<hbm>>) target(%arg8 : memref<8x80xi32, #tpu.memory_space<vmem>>) target_semaphore(%run_scoped3A : memref<!tpu.dma_semaphore, #tpu.memory_space<semaphore_mem>>)
        %dma_wait3A_260 = arith.constant 0 : i32
        %dma_wait3A_261 = tpu.memref_slice %arg3[%add3A_58, %dma_wait3A_260] : memref<8000x80xi32, #tpu.memory_space<hbm>> -> memref<8x80xi32, #tpu.memory_space<hbm>>
        %dma_wait3A_262 = arith.constant 0 : i32
        %dma_wait3A_263 = tpu.memref_slice %arg3[%add3A_58, %dma_wait3A_262] : memref<8000x80xi32, #tpu.memory_space<hbm>> -> memref<8x80xi32, #tpu.memory_space<hbm>>
        tpu.wait_dma2 semaphore(%run_scoped3A : memref<!tpu.dma_semaphore, #tpu.memory_space<semaphore_mem>>) src(%dma_wait3A_263 : memref<8x80xi32, #tpu.memory_space<hbm>>) dst(%arg8 : memref<8x80xi32, #tpu.memory_space<vmem>>)
        tpu.yield
      }) : () -> ()
      %mul3A_59 = arith.constant 4 : i32
      %mul3A_60 = arith.muli %while3A_50, %mul3A_59 : i32
      %add3A_61 = arith.constant 0 : i32
      %add3A_62 = arith.addi %mul3A_60, %add3A_61 : i32
      %add3A_63 = arith.constant 1 : i32
      %add3A_64 = arith.addi %add3A_62, %add3A_63 : i32
      %lt3A_65 = arith.cmpi slt, %add3A_64, %mul3A_10 : i32
      %convert_element_type3A_66 = arith.extui %lt3A_65 : i1 to i32
      %cond3A_67 = arith.constant 0 : i32
      %cond3A_68 = arith.cmpi ne, %convert_element_type3A_66, %cond3A_67 : i32
      scf.if %cond3A_68 {
        %add3A_256 = arith.constant 1 : i32
        %add3A_257 = arith.addi %add3A_62, %add3A_256 : i32
        %mul3A_258 = arith.constant 160 : i32
        %mul3A_259 = arith.muli %add3A_257, %mul3A_258 : i32
        %add3A_260 = arith.addi %mul3A_4, %mul3A_259 : i32
        %dma_start3A_261 = arith.constant 0 : i32
        %dma_start3A_262 = tpu.memref_slice %arg2[%add3A_260, %dma_start3A_261] : memref<640000x128xf32, #tpu.memory_space<hbm>> -> memref<160x128xf32, #tpu.memory_space<hbm>>
        %dma_start3A_263 = arith.constant 0 : i32
        %dma_start3A_264 = tpu.memref_slice %arg2[%add3A_260, %dma_start3A_263] : memref<640000x128xf32, #tpu.memory_space<hbm>> -> memref<160x128xf32, #tpu.memory_space<hbm>>
        tpu.enqueue_dma source(%dma_start3A_264 : memref<160x128xf32, #tpu.memory_space<hbm>>) target(%arg7 : memref<160x128xf32, #tpu.memory_space<vmem>>) target_semaphore(%arg11 : memref<!tpu.dma_semaphore, #tpu.memory_space<semaphore_mem>>)
      } else {
      }
      %dma_wait3A_69 = arith.constant 0 : i32
      %dma_wait3A_70 = tpu.memref_slice %arg2[%mul3A_4, %dma_wait3A_69] : memref<640000x128xf32, #tpu.memory_space<hbm>> -> memref<160x128xf32, #tpu.memory_space<hbm>>
      %dma_wait3A_71 = arith.constant 0 : i32
      %dma_wait3A_72 = tpu.memref_slice %arg2[%mul3A_4, %dma_wait3A_71] : memref<640000x128xf32, #tpu.memory_space<hbm>> -> memref<160x128xf32, #tpu.memory_space<hbm>>
      tpu.wait_dma2 semaphore(%arg10 : memref<!tpu.dma_semaphore, #tpu.memory_space<semaphore_mem>>) src(%dma_wait3A_72 : memref<160x128xf32, #tpu.memory_space<hbm>>) dst(%arg6 : memref<160x128xf32, #tpu.memory_space<vmem>>)
      %dma_start3A_73 = arith.constant 0 : i32
      %dma_start3A_74 = arith.constant 0 : i32
      %dma_start3A_75 = arith.constant 0 : i32
      %dma_start3A_76 = tpu.memref_slice %arg6[%dma_start3A_74, %dma_start3A_75] : memref<160x128xf32, #tpu.memory_space<vmem>> -> memref<80x128xf32, #tpu.memory_space<vmem>>
      %dma_start3A_77 = arith.constant 0 : i32
      %dma_start3A_78 = tpu.memref_slice %arg8[%dma_start3A_73, %dma_start3A_77] : memref<8x80xi32, #tpu.memory_space<vmem>> -> memref<1x80xi32, #tpu.memory_space<vmem>>
      %dma_start3A_79 = tpu.memref_squeeze %dma_start3A_78 : memref<1x80xi32, #tpu.memory_space<vmem>> -> memref<80xi32, #tpu.memory_space<vmem>>
      %dma_start3A_80 = arith.constant 0 : i32
      %dma_start3A_81 = arith.constant 0 : i32
      %dma_start3A_82 = tpu.memref_slice %arg9[%dma_start3A_80, %dma_start3A_81] : memref<10000x128xf32, #tpu.memory_space<vmem_shared>> -> memref<10000x128xf32, #tpu.memory_space<vmem_shared>>
      tpu.enqueue_indirect_dma source(%dma_start3A_76 : memref<80x128xf32, #tpu.memory_space<vmem>>) target(%dma_start3A_82 : memref<10000x128xf32, #tpu.memory_space<vmem_shared>>) offsets(%dma_start3A_79 : memref<80xi32, #tpu.memory_space<vmem>>) semaphore(%arg12 : memref<!tpu.dma_semaphore, #tpu.memory_space<semaphore_mem>>) {add = true}
      %dma_start3A_83 = arith.constant 1 : i32
      %dma_start3A_84 = arith.constant 80 : i32
      %dma_start3A_85 = arith.constant 0 : i32
      %dma_start3A_86 = tpu.memref_slice %arg6[%dma_start3A_84, %dma_start3A_85] : memref<160x128xf32, #tpu.memory_space<vmem>> -> memref<80x128xf32, #tpu.memory_space<vmem>>
      %dma_start3A_87 = arith.constant 0 : i32
      %dma_start3A_88 = tpu.memref_slice %arg8[%dma_start3A_83, %dma_start3A_87] : memref<8x80xi32, #tpu.memory_space<vmem>> -> memref<1x80xi32, #tpu.memory_space<vmem>>
      %dma_start3A_89 = tpu.memref_squeeze %dma_start3A_88 : memref<1x80xi32, #tpu.memory_space<vmem>> -> memref<80xi32, #tpu.memory_space<vmem>>
      %dma_start3A_90 = arith.constant 0 : i32
      %dma_start3A_91 = arith.constant 0 : i32
      %dma_start3A_92 = tpu.memref_slice %arg9[%dma_start3A_90, %dma_start3A_91] : memref<10000x128xf32, #tpu.memory_space<vmem_shared>> -> memref<10000x128xf32, #tpu.memory_space<vmem_shared>>
      tpu.enqueue_indirect_dma source(%dma_start3A_86 : memref<80x128xf32, #tpu.memory_space<vmem>>) target(%dma_start3A_92 : memref<10000x128xf32, #tpu.memory_space<vmem_shared>>) offsets(%dma_start3A_89 : memref<80xi32, #tpu.memory_space<vmem>>) semaphore(%arg12 : memref<!tpu.dma_semaphore, #tpu.memory_space<semaphore_mem>>) {add = true}
      %mul3A_93 = arith.constant 4 : i32
      %mul3A_94 = arith.muli %while3A_50, %mul3A_93 : i32
      %add3A_95 = arith.constant 1 : i32
      %add3A_96 = arith.addi %mul3A_94, %add3A_95 : i32
      %dma_wait3A_97 = arith.constant 0 : i32
      %dma_wait3A_98 = arith.constant 0 : i32
      %dma_wait3A_99 = arith.constant 0 : i32
      %dma_wait3A_100 = tpu.memref_slice %arg6[%dma_wait3A_98, %dma_wait3A_99] : memref<160x128xf32, #tpu.memory_space<vmem>> -> memref<80x128xf32, #tpu.memory_space<vmem>>
      %dma_wait3A_101 = arith.constant 0 : i32
      %dma_wait3A_102 = tpu.memref_slice %arg8[%dma_wait3A_97, %dma_wait3A_101] : memref<8x80xi32, #tpu.memory_space<vmem>> -> memref<1x80xi32, #tpu.memory_space<vmem>>
      %dma_wait3A_103 = tpu.memref_squeeze %dma_wait3A_102 : memref<1x80xi32, #tpu.memory_space<vmem>> -> memref<80xi32, #tpu.memory_space<vmem>>
      %dma_wait3A_104 = arith.constant 0 : i32
      %dma_wait3A_105 = arith.constant 0 : i32
      %dma_wait3A_106 = tpu.memref_slice %arg9[%dma_wait3A_104, %dma_wait3A_105] : memref<10000x128xf32, #tpu.memory_space<vmem_shared>> -> memref<10000x128xf32, #tpu.memory_space<vmem_shared>>
      tpu.wait_indirect_dma semaphore(%arg12 : memref<!tpu.dma_semaphore, #tpu.memory_space<semaphore_mem>>) src(%dma_wait3A_100 : memref<80x128xf32, #tpu.memory_space<vmem>>) dst(%dma_wait3A_106 : memref<10000x128xf32, #tpu.memory_space<vmem_shared>>)
      %dma_wait3A_107 = arith.constant 1 : i32
      %dma_wait3A_108 = arith.constant 80 : i32
      %dma_wait3A_109 = arith.constant 0 : i32
      %dma_wait3A_110 = tpu.memref_slice %arg6[%dma_wait3A_108, %dma_wait3A_109] : memref<160x128xf32, #tpu.memory_space<vmem>> -> memref<80x128xf32, #tpu.memory_space<vmem>>
      %dma_wait3A_111 = arith.constant 0 : i32
      %dma_wait3A_112 = tpu.memref_slice %arg8[%dma_wait3A_107, %dma_wait3A_111] : memref<8x80xi32, #tpu.memory_space<vmem>> -> memref<1x80xi32, #tpu.memory_space<vmem>>
      %dma_wait3A_113 = tpu.memref_squeeze %dma_wait3A_112 : memref<1x80xi32, #tpu.memory_space<vmem>> -> memref<80xi32, #tpu.memory_space<vmem>>
      %dma_wait3A_114 = arith.constant 0 : i32
      %dma_wait3A_115 = arith.constant 0 : i32
      %dma_wait3A_116 = tpu.memref_slice %arg9[%dma_wait3A_114, %dma_wait3A_115] : memref<10000x128xf32, #tpu.memory_space<vmem_shared>> -> memref<10000x128xf32, #tpu.memory_space<vmem_shared>>
      tpu.wait_indirect_dma semaphore(%arg12 : memref<!tpu.dma_semaphore, #tpu.memory_space<semaphore_mem>>) src(%dma_wait3A_110 : memref<80x128xf32, #tpu.memory_space<vmem>>) dst(%dma_wait3A_116 : memref<10000x128xf32, #tpu.memory_space<vmem_shared>>)
      %add3A_117 = arith.constant 1 : i32
      %add3A_118 = arith.addi %add3A_96, %add3A_117 : i32
      %lt3A_119 = arith.cmpi slt, %add3A_118, %mul3A_10 : i32
      %convert_element_type3A_120 = arith.extui %lt3A_119 : i1 to i32
      %cond3A_121 = arith.constant 0 : i32
      %cond3A_122 = arith.cmpi ne, %convert_element_type3A_120, %cond3A_121 : i32
      scf.if %cond3A_122 {
        %add3A_256 = arith.constant 1 : i32
        %add3A_257 = arith.addi %add3A_96, %add3A_256 : i32
        %mul3A_258 = arith.constant 160 : i32
        %mul3A_259 = arith.muli %add3A_257, %mul3A_258 : i32
        %add3A_260 = arith.addi %mul3A_4, %mul3A_259 : i32
        %dma_start3A_261 = arith.constant 0 : i32
        %dma_start3A_262 = tpu.memref_slice %arg2[%add3A_260, %dma_start3A_261] : memref<640000x128xf32, #tpu.memory_space<hbm>> -> memref<160x128xf32, #tpu.memory_space<hbm>>
        %dma_start3A_263 = arith.constant 0 : i32
        %dma_start3A_264 = tpu.memref_slice %arg2[%add3A_260, %dma_start3A_263] : memref<640000x128xf32, #tpu.memory_space<hbm>> -> memref<160x128xf32, #tpu.memory_space<hbm>>
        tpu.enqueue_dma source(%dma_start3A_264 : memref<160x128xf32, #tpu.memory_space<hbm>>) target(%arg6 : memref<160x128xf32, #tpu.memory_space<vmem>>) target_semaphore(%arg10 : memref<!tpu.dma_semaphore, #tpu.memory_space<semaphore_mem>>)
      } else {
      }
      %dma_wait3A_123 = arith.constant 0 : i32
      %dma_wait3A_124 = tpu.memref_slice %arg2[%mul3A_4, %dma_wait3A_123] : memref<640000x128xf32, #tpu.memory_space<hbm>> -> memref<160x128xf32, #tpu.memory_space<hbm>>
      %dma_wait3A_125 = arith.constant 0 : i32
      %dma_wait3A_126 = tpu.memref_slice %arg2[%mul3A_4, %dma_wait3A_125] : memref<640000x128xf32, #tpu.memory_space<hbm>> -> memref<160x128xf32, #tpu.memory_space<hbm>>
      tpu.wait_dma2 semaphore(%arg11 : memref<!tpu.dma_semaphore, #tpu.memory_space<semaphore_mem>>) src(%dma_wait3A_126 : memref<160x128xf32, #tpu.memory_space<hbm>>) dst(%arg7 : memref<160x128xf32, #tpu.memory_space<vmem>>)
      %dma_start3A_127 = arith.constant 2 : i32
      %dma_start3A_128 = arith.constant 0 : i32
      %dma_start3A_129 = arith.constant 0 : i32
      %dma_start3A_130 = tpu.memref_slice %arg7[%dma_start3A_128, %dma_start3A_129] : memref<160x128xf32, #tpu.memory_space<vmem>> -> memref<80x128xf32, #tpu.memory_space<vmem>>
      %dma_start3A_131 = arith.constant 0 : i32
      %dma_start3A_132 = tpu.memref_slice %arg8[%dma_start3A_127, %dma_start3A_131] : memref<8x80xi32, #tpu.memory_space<vmem>> -> memref<1x80xi32, #tpu.memory_space<vmem>>
      %dma_start3A_133 = tpu.memref_squeeze %dma_start3A_132 : memref<1x80xi32, #tpu.memory_space<vmem>> -> memref<80xi32, #tpu.memory_space<vmem>>
      %dma_start3A_134 = arith.constant 0 : i32
      %dma_start3A_135 = arith.constant 0 : i32
      %dma_start3A_136 = tpu.memref_slice %arg9[%dma_start3A_134, %dma_start3A_135] : memref<10000x128xf32, #tpu.memory_space<vmem_shared>> -> memref<10000x128xf32, #tpu.memory_space<vmem_shared>>
      tpu.enqueue_indirect_dma source(%dma_start3A_130 : memref<80x128xf32, #tpu.memory_space<vmem>>) target(%dma_start3A_136 : memref<10000x128xf32, #tpu.memory_space<vmem_shared>>) offsets(%dma_start3A_133 : memref<80xi32, #tpu.memory_space<vmem>>) semaphore(%arg13 : memref<!tpu.dma_semaphore, #tpu.memory_space<semaphore_mem>>) {add = true}
      %dma_start3A_137 = arith.constant 3 : i32
      %dma_start3A_138 = arith.constant 80 : i32
      %dma_start3A_139 = arith.constant 0 : i32
      %dma_start3A_140 = tpu.memref_slice %arg7[%dma_start3A_138, %dma_start3A_139] : memref<160x128xf32, #tpu.memory_space<vmem>> -> memref<80x128xf32, #tpu.memory_space<vmem>>
      %dma_start3A_141 = arith.constant 0 : i32
      %dma_start3A_142 = tpu.memref_slice %arg8[%dma_start3A_137, %dma_start3A_141] : memref<8x80xi32, #tpu.memory_space<vmem>> -> memref<1x80xi32, #tpu.memory_space<vmem>>
      %dma_start3A_143 = tpu.memref_squeeze %dma_start3A_142 : memref<1x80xi32, #tpu.memory_space<vmem>> -> memref<80xi32, #tpu.memory_space<vmem>>
      %dma_start3A_144 = arith.constant 0 : i32
      %dma_start3A_145 = arith.constant 0 : i32
      %dma_start3A_146 = tpu.memref_slice %arg9[%dma_start3A_144, %dma_start3A_145] : memref<10000x128xf32, #tpu.memory_space<vmem_shared>> -> memref<10000x128xf32, #tpu.memory_space<vmem_shared>>
      tpu.enqueue_indirect_dma source(%dma_start3A_140 : memref<80x128xf32, #tpu.memory_space<vmem>>) target(%dma_start3A_146 : memref<10000x128xf32, #tpu.memory_space<vmem_shared>>) offsets(%dma_start3A_143 : memref<80xi32, #tpu.memory_space<vmem>>) semaphore(%arg13 : memref<!tpu.dma_semaphore, #tpu.memory_space<semaphore_mem>>) {add = true}
      %mul3A_147 = arith.constant 4 : i32
      %mul3A_148 = arith.muli %while3A_50, %mul3A_147 : i32
      %add3A_149 = arith.constant 2 : i32
      %add3A_150 = arith.addi %mul3A_148, %add3A_149 : i32
      %dma_wait3A_151 = arith.constant 2 : i32
      %dma_wait3A_152 = arith.constant 0 : i32
      %dma_wait3A_153 = arith.constant 0 : i32
      %dma_wait3A_154 = tpu.memref_slice %arg7[%dma_wait3A_152, %dma_wait3A_153] : memref<160x128xf32, #tpu.memory_space<vmem>> -> memref<80x128xf32, #tpu.memory_space<vmem>>
      %dma_wait3A_155 = arith.constant 0 : i32
      %dma_wait3A_156 = tpu.memref_slice %arg8[%dma_wait3A_151, %dma_wait3A_155] : memref<8x80xi32, #tpu.memory_space<vmem>> -> memref<1x80xi32, #tpu.memory_space<vmem>>
      %dma_wait3A_157 = tpu.memref_squeeze %dma_wait3A_156 : memref<1x80xi32, #tpu.memory_space<vmem>> -> memref<80xi32, #tpu.memory_space<vmem>>
      %dma_wait3A_158 = arith.constant 0 : i32
      %dma_wait3A_159 = arith.constant 0 : i32
      %dma_wait3A_160 = tpu.memref_slice %arg9[%dma_wait3A_158, %dma_wait3A_159] : memref<10000x128xf32, #tpu.memory_space<vmem_shared>> -> memref<10000x128xf32, #tpu.memory_space<vmem_shared>>
      tpu.wait_indirect_dma semaphore(%arg13 : memref<!tpu.dma_semaphore, #tpu.memory_space<semaphore_mem>>) src(%dma_wait3A_154 : memref<80x128xf32, #tpu.memory_space<vmem>>) dst(%dma_wait3A_160 : memref<10000x128xf32, #tpu.memory_space<vmem_shared>>)
      %dma_wait3A_161 = arith.constant 3 : i32
      %dma_wait3A_162 = arith.constant 80 : i32
      %dma_wait3A_163 = arith.constant 0 : i32
      %dma_wait3A_164 = tpu.memref_slice %arg7[%dma_wait3A_162, %dma_wait3A_163] : memref<160x128xf32, #tpu.memory_space<vmem>> -> memref<80x128xf32, #tpu.memory_space<vmem>>
      %dma_wait3A_165 = arith.constant 0 : i32
      %dma_wait3A_166 = tpu.memref_slice %arg8[%dma_wait3A_161, %dma_wait3A_165] : memref<8x80xi32, #tpu.memory_space<vmem>> -> memref<1x80xi32, #tpu.memory_space<vmem>>
      %dma_wait3A_167 = tpu.memref_squeeze %dma_wait3A_166 : memref<1x80xi32, #tpu.memory_space<vmem>> -> memref<80xi32, #tpu.memory_space<vmem>>
      %dma_wait3A_168 = arith.constant 0 : i32
      %dma_wait3A_169 = arith.constant 0 : i32
      %dma_wait3A_170 = tpu.memref_slice %arg9[%dma_wait3A_168, %dma_wait3A_169] : memref<10000x128xf32, #tpu.memory_space<vmem_shared>> -> memref<10000x128xf32, #tpu.memory_space<vmem_shared>>
      tpu.wait_indirect_dma semaphore(%arg13 : memref<!tpu.dma_semaphore, #tpu.memory_space<semaphore_mem>>) src(%dma_wait3A_164 : memref<80x128xf32, #tpu.memory_space<vmem>>) dst(%dma_wait3A_170 : memref<10000x128xf32, #tpu.memory_space<vmem_shared>>)
      %add3A_171 = arith.constant 1 : i32
      %add3A_172 = arith.addi %add3A_150, %add3A_171 : i32
      %lt3A_173 = arith.cmpi slt, %add3A_172, %mul3A_10 : i32
      %convert_element_type3A_174 = arith.extui %lt3A_173 : i1 to i32
      %cond3A_175 = arith.constant 0 : i32
      %cond3A_176 = arith.cmpi ne, %convert_element_type3A_174, %cond3A_175 : i32
      scf.if %cond3A_176 {
        %add3A_256 = arith.constant 1 : i32
        %add3A_257 = arith.addi %add3A_150, %add3A_256 : i32
        %mul3A_258 = arith.constant 160 : i32
        %mul3A_259 = arith.muli %add3A_257, %mul3A_258 : i32
        %add3A_260 = arith.addi %mul3A_4, %mul3A_259 : i32
        %dma_start3A_261 = arith.constant 0 : i32
        %dma_start3A_262 = tpu.memref_slice %arg2[%add3A_260, %dma_start3A_261] : memref<640000x128xf32, #tpu.memory_space<hbm>> -> memref<160x128xf32, #tpu.memory_space<hbm>>
        %dma_start3A_263 = arith.constant 0 : i32
        %dma_start3A_264 = tpu.memref_slice %arg2[%add3A_260, %dma_start3A_263] : memref<640000x128xf32, #tpu.memory_space<hbm>> -> memref<160x128xf32, #tpu.memory_space<hbm>>
        tpu.enqueue_dma source(%dma_start3A_264 : memref<160x128xf32, #tpu.memory_space<hbm>>) target(%arg7 : memref<160x128xf32, #tpu.memory_space<vmem>>) target_semaphore(%arg11 : memref<!tpu.dma_semaphore, #tpu.memory_space<semaphore_mem>>)
      } else {
      }
      %dma_wait3A_177 = arith.constant 0 : i32
      %dma_wait3A_178 = tpu.memref_slice %arg2[%mul3A_4, %dma_wait3A_177] : memref<640000x128xf32, #tpu.memory_space<hbm>> -> memref<160x128xf32, #tpu.memory_space<hbm>>
      %dma_wait3A_179 = arith.constant 0 : i32
      %dma_wait3A_180 = tpu.memref_slice %arg2[%mul3A_4, %dma_wait3A_179] : memref<640000x128xf32, #tpu.memory_space<hbm>> -> memref<160x128xf32, #tpu.memory_space<hbm>>
      tpu.wait_dma2 semaphore(%arg10 : memref<!tpu.dma_semaphore, #tpu.memory_space<semaphore_mem>>) src(%dma_wait3A_180 : memref<160x128xf32, #tpu.memory_space<hbm>>) dst(%arg6 : memref<160x128xf32, #tpu.memory_space<vmem>>)
      %dma_start3A_181 = arith.constant 4 : i32
      %dma_start3A_182 = arith.constant 0 : i32
      %dma_start3A_183 = arith.constant 0 : i32
      %dma_start3A_184 = tpu.memref_slice %arg6[%dma_start3A_182, %dma_start3A_183] : memref<160x128xf32, #tpu.memory_space<vmem>> -> memref<80x128xf32, #tpu.memory_space<vmem>>
      %dma_start3A_185 = arith.constant 0 : i32
      %dma_start3A_186 = tpu.memref_slice %arg8[%dma_start3A_181, %dma_start3A_185] : memref<8x80xi32, #tpu.memory_space<vmem>> -> memref<1x80xi32, #tpu.memory_space<vmem>>
      %dma_start3A_187 = tpu.memref_squeeze %dma_start3A_186 : memref<1x80xi32, #tpu.memory_space<vmem>> -> memref<80xi32, #tpu.memory_space<vmem>>
      %dma_start3A_188 = arith.constant 0 : i32
      %dma_start3A_189 = arith.constant 0 : i32
      %dma_start3A_190 = tpu.memref_slice %arg9[%dma_start3A_188, %dma_start3A_189] : memref<10000x128xf32, #tpu.memory_space<vmem_shared>> -> memref<10000x128xf32, #tpu.memory_space<vmem_shared>>
      tpu.enqueue_indirect_dma source(%dma_start3A_184 : memref<80x128xf32, #tpu.memory_space<vmem>>) target(%dma_start3A_190 : memref<10000x128xf32, #tpu.memory_space<vmem_shared>>) offsets(%dma_start3A_187 : memref<80xi32, #tpu.memory_space<vmem>>) semaphore(%arg12 : memref<!tpu.dma_semaphore, #tpu.memory_space<semaphore_mem>>) {add = true}
      %dma_start3A_191 = arith.constant 5 : i32
      %dma_start3A_192 = arith.constant 80 : i32
      %dma_start3A_193 = arith.constant 0 : i32
      %dma_start3A_194 = tpu.memref_slice %arg6[%dma_start3A_192, %dma_start3A_193] : memref<160x128xf32, #tpu.memory_space<vmem>> -> memref<80x128xf32, #tpu.memory_space<vmem>>
      %dma_start3A_195 = arith.constant 0 : i32
      %dma_start3A_196 = tpu.memref_slice %arg8[%dma_start3A_191, %dma_start3A_195] : memref<8x80xi32, #tpu.memory_space<vmem>> -> memref<1x80xi32, #tpu.memory_space<vmem>>
      %dma_start3A_197 = tpu.memref_squeeze %dma_start3A_196 : memref<1x80xi32, #tpu.memory_space<vmem>> -> memref<80xi32, #tpu.memory_space<vmem>>
      %dma_start3A_198 = arith.constant 0 : i32
      %dma_start3A_199 = arith.constant 0 : i32
      %dma_start3A_200 = tpu.memref_slice %arg9[%dma_start3A_198, %dma_start3A_199] : memref<10000x128xf32, #tpu.memory_space<vmem_shared>> -> memref<10000x128xf32, #tpu.memory_space<vmem_shared>>
      tpu.enqueue_indirect_dma source(%dma_start3A_194 : memref<80x128xf32, #tpu.memory_space<vmem>>) target(%dma_start3A_200 : memref<10000x128xf32, #tpu.memory_space<vmem_shared>>) offsets(%dma_start3A_197 : memref<80xi32, #tpu.memory_space<vmem>>) semaphore(%arg12 : memref<!tpu.dma_semaphore, #tpu.memory_space<semaphore_mem>>) {add = true}
      %mul3A_201 = arith.constant 4 : i32
      %mul3A_202 = arith.muli %while3A_50, %mul3A_201 : i32
      %add3A_203 = arith.constant 3 : i32
      %add3A_204 = arith.addi %mul3A_202, %add3A_203 : i32
      %dma_wait3A_205 = arith.constant 4 : i32
      %dma_wait3A_206 = arith.constant 0 : i32
      %dma_wait3A_207 = arith.constant 0 : i32
      %dma_wait3A_208 = tpu.memref_slice %arg6[%dma_wait3A_206, %dma_wait3A_207] : memref<160x128xf32, #tpu.memory_space<vmem>> -> memref<80x128xf32, #tpu.memory_space<vmem>>
      %dma_wait3A_209 = arith.constant 0 : i32
      %dma_wait3A_210 = tpu.memref_slice %arg8[%dma_wait3A_205, %dma_wait3A_209] : memref<8x80xi32, #tpu.memory_space<vmem>> -> memref<1x80xi32, #tpu.memory_space<vmem>>
      %dma_wait3A_211 = tpu.memref_squeeze %dma_wait3A_210 : memref<1x80xi32, #tpu.memory_space<vmem>> -> memref<80xi32, #tpu.memory_space<vmem>>
      %dma_wait3A_212 = arith.constant 0 : i32
      %dma_wait3A_213 = arith.constant 0 : i32
      %dma_wait3A_214 = tpu.memref_slice %arg9[%dma_wait3A_212, %dma_wait3A_213] : memref<10000x128xf32, #tpu.memory_space<vmem_shared>> -> memref<10000x128xf32, #tpu.memory_space<vmem_shared>>
      tpu.wait_indirect_dma semaphore(%arg12 : memref<!tpu.dma_semaphore, #tpu.memory_space<semaphore_mem>>) src(%dma_wait3A_208 : memref<80x128xf32, #tpu.memory_space<vmem>>) dst(%dma_wait3A_214 : memref<10000x128xf32, #tpu.memory_space<vmem_shared>>)
      %dma_wait3A_215 = arith.constant 5 : i32
      %dma_wait3A_216 = arith.constant 80 : i32
      %dma_wait3A_217 = arith.constant 0 : i32
      %dma_wait3A_218 = tpu.memref_slice %arg6[%dma_wait3A_216, %dma_wait3A_217] : memref<160x128xf32, #tpu.memory_space<vmem>> -> memref<80x128xf32, #tpu.memory_space<vmem>>
      %dma_wait3A_219 = arith.constant 0 : i32
      %dma_wait3A_220 = tpu.memref_slice %arg8[%dma_wait3A_215, %dma_wait3A_219] : memref<8x80xi32, #tpu.memory_space<vmem>> -> memref<1x80xi32, #tpu.memory_space<vmem>>
      %dma_wait3A_221 = tpu.memref_squeeze %dma_wait3A_220 : memref<1x80xi32, #tpu.memory_space<vmem>> -> memref<80xi32, #tpu.memory_space<vmem>>
      %dma_wait3A_222 = arith.constant 0 : i32
      %dma_wait3A_223 = arith.constant 0 : i32
      %dma_wait3A_224 = tpu.memref_slice %arg9[%dma_wait3A_222, %dma_wait3A_223] : memref<10000x128xf32, #tpu.memory_space<vmem_shared>> -> memref<10000x128xf32, #tpu.memory_space<vmem_shared>>
      tpu.wait_indirect_dma semaphore(%arg12 : memref<!tpu.dma_semaphore, #tpu.memory_space<semaphore_mem>>) src(%dma_wait3A_218 : memref<80x128xf32, #tpu.memory_space<vmem>>) dst(%dma_wait3A_224 : memref<10000x128xf32, #tpu.memory_space<vmem_shared>>)
      %add3A_225 = arith.constant 1 : i32
      %add3A_226 = arith.addi %add3A_204, %add3A_225 : i32
      %lt3A_227 = arith.cmpi slt, %add3A_226, %mul3A_10 : i32
      %convert_element_type3A_228 = arith.extui %lt3A_227 : i1 to i32
      %cond3A_229 = arith.constant 0 : i32
      %cond3A_230 = arith.cmpi ne, %convert_element_type3A_228, %cond3A_229 : i32
      scf.if %cond3A_230 {
        %add3A_256 = arith.constant 1 : i32
        %add3A_257 = arith.addi %add3A_204, %add3A_256 : i32
        %mul3A_258 = arith.constant 160 : i32
        %mul3A_259 = arith.muli %add3A_257, %mul3A_258 : i32
        %add3A_260 = arith.addi %mul3A_4, %mul3A_259 : i32
        %dma_start3A_261 = arith.constant 0 : i32
        %dma_start3A_262 = tpu.memref_slice %arg2[%add3A_260, %dma_start3A_261] : memref<640000x128xf32, #tpu.memory_space<hbm>> -> memref<160x128xf32, #tpu.memory_space<hbm>>
        %dma_start3A_263 = arith.constant 0 : i32
        %dma_start3A_264 = tpu.memref_slice %arg2[%add3A_260, %dma_start3A_263] : memref<640000x128xf32, #tpu.memory_space<hbm>> -> memref<160x128xf32, #tpu.memory_space<hbm>>
        tpu.enqueue_dma source(%dma_start3A_264 : memref<160x128xf32, #tpu.memory_space<hbm>>) target(%arg6 : memref<160x128xf32, #tpu.memory_space<vmem>>) target_semaphore(%arg10 : memref<!tpu.dma_semaphore, #tpu.memory_space<semaphore_mem>>)
      } else {
      }
      %dma_wait3A_231 = arith.constant 0 : i32
      %dma_wait3A_232 = tpu.memref_slice %arg2[%mul3A_4, %dma_wait3A_231] : memref<640000x128xf32, #tpu.memory_space<hbm>> -> memref<160x128xf32, #tpu.memory_space<hbm>>
      %dma_wait3A_233 = arith.constant 0 : i32
      %dma_wait3A_234 = tpu.memref_slice %arg2[%mul3A_4, %dma_wait3A_233] : memref<640000x128xf32, #tpu.memory_space<hbm>> -> memref<160x128xf32, #tpu.memory_space<hbm>>
      tpu.wait_dma2 semaphore(%arg11 : memref<!tpu.dma_semaphore, #tpu.memory_space<semaphore_mem>>) src(%dma_wait3A_234 : memref<160x128xf32, #tpu.memory_space<hbm>>) dst(%arg7 : memref<160x128xf32, #tpu.memory_space<vmem>>)
      %dma_start3A_235 = arith.constant 6 : i32
      %dma_start3A_236 = arith.constant 0 : i32
      %dma_start3A_237 = arith.constant 0 : i32
      %dma_start3A_238 = tpu.memref_slice %arg7[%dma_start3A_236, %dma_start3A_237] : memref<160x128xf32, #tpu.memory_space<vmem>> -> memref<80x128xf32, #tpu.memory_space<vmem>>
      %dma_start3A_239 = arith.constant 0 : i32
      %dma_start3A_240 = tpu.memref_slice %arg8[%dma_start3A_235, %dma_start3A_239] : memref<8x80xi32, #tpu.memory_space<vmem>> -> memref<1x80xi32, #tpu.memory_space<vmem>>
      %dma_start3A_241 = tpu.memref_squeeze %dma_start3A_240 : memref<1x80xi32, #tpu.memory_space<vmem>> -> memref<80xi32, #tpu.memory_space<vmem>>
      %dma_start3A_242 = arith.constant 0 : i32
      %dma_start3A_243 = arith.constant 0 : i32
      %dma_start3A_244 = tpu.memref_slice %arg9[%dma_start3A_242, %dma_start3A_243] : memref<10000x128xf32, #tpu.memory_space<vmem_shared>> -> memref<10000x128xf32, #tpu.memory_space<vmem_shared>>
      tpu.enqueue_indirect_dma source(%dma_start3A_238 : memref<80x128xf32, #tpu.memory_space<vmem>>) target(%dma_start3A_244 : memref<10000x128xf32, #tpu.memory_space<vmem_shared>>) offsets(%dma_start3A_241 : memref<80xi32, #tpu.memory_space<vmem>>) semaphore(%arg13 : memref<!tpu.dma_semaphore, #tpu.memory_space<semaphore_mem>>) {add = true}
      %dma_start3A_245 = arith.constant 7 : i32
      %dma_start3A_246 = arith.constant 80 : i32
      %dma_start3A_247 = arith.constant 0 : i32
      %dma_start3A_248 = tpu.memref_slice %arg7[%dma_start3A_246, %dma_start3A_247] : memref<160x128xf32, #tpu.memory_space<vmem>> -> memref<80x128xf32, #tpu.memory_space<vmem>>
      %dma_start3A_249 = arith.constant 0 : i32
      %dma_start3A_250 = tpu.memref_slice %arg8[%dma_start3A_245, %dma_start3A_249] : memref<8x80xi32, #tpu.memory_space<vmem>> -> memref<1x80xi32, #tpu.memory_space<vmem>>
      %dma_start3A_251 = tpu.memref_squeeze %dma_start3A_250 : memref<1x80xi32, #tpu.memory_space<vmem>> -> memref<80xi32, #tpu.memory_space<vmem>>
      %dma_start3A_252 = arith.constant 0 : i32
      %dma_start3A_253 = arith.constant 0 : i32
      %dma_start3A_254 = tpu.memref_slice %arg9[%dma_start3A_252, %dma_start3A_253] : memref<10000x128xf32, #tpu.memory_space<vmem_shared>> -> memref<10000x128xf32, #tpu.memory_space<vmem_shared>>
      tpu.enqueue_indirect_dma source(%dma_start3A_248 : memref<80x128xf32, #tpu.memory_space<vmem>>) target(%dma_start3A_254 : memref<10000x128xf32, #tpu.memory_space<vmem_shared>>) offsets(%dma_start3A_251 : memref<80xi32, #tpu.memory_space<vmem>>) semaphore(%arg13 : memref<!tpu.dma_semaphore, #tpu.memory_space<semaphore_mem>>) {add = true}
      %while3A_255 = arith.constant 0 : i32
      scf.yield %while3A_255 : i32
    }
    %dma_wait3A = arith.constant 6 : i32
    %dma_wait3A_25 = arith.constant 0 : i32
    %dma_wait3A_26 = arith.constant 0 : i32
    %dma_wait3A_27 = tpu.memref_slice %arg7[%dma_wait3A_25, %dma_wait3A_26] : memref<160x128xf32, #tpu.memory_space<vmem>> -> memref<80x128xf32, #tpu.memory_space<vmem>>
    %dma_wait3A_28 = arith.constant 0 : i32
    %dma_wait3A_29 = tpu.memref_slice %arg8[%dma_wait3A, %dma_wait3A_28] : memref<8x80xi32, #tpu.memory_space<vmem>> -> memref<1x80xi32, #tpu.memory_space<vmem>>
    %dma_wait3A_30 = tpu.memref_squeeze %dma_wait3A_29 : memref<1x80xi32, #tpu.memory_space<vmem>> -> memref<80xi32, #tpu.memory_space<vmem>>
    %dma_wait3A_31 = arith.constant 0 : i32
    %dma_wait3A_32 = arith.constant 0 : i32
    %dma_wait3A_33 = tpu.memref_slice %arg9[%dma_wait3A_31, %dma_wait3A_32] : memref<10000x128xf32, #tpu.memory_space<vmem_shared>> -> memref<10000x128xf32, #tpu.memory_space<vmem_shared>>
    tpu.wait_indirect_dma semaphore(%arg13 : memref<!tpu.dma_semaphore, #tpu.memory_space<semaphore_mem>>) src(%dma_wait3A_27 : memref<80x128xf32, #tpu.memory_space<vmem>>) dst(%dma_wait3A_33 : memref<10000x128xf32, #tpu.memory_space<vmem_shared>>)
    %dma_wait3A_34 = arith.constant 7 : i32
    %dma_wait3A_35 = arith.constant 80 : i32
    %dma_wait3A_36 = arith.constant 0 : i32
    %dma_wait3A_37 = tpu.memref_slice %arg7[%dma_wait3A_35, %dma_wait3A_36] : memref<160x128xf32, #tpu.memory_space<vmem>> -> memref<80x128xf32, #tpu.memory_space<vmem>>
    %dma_wait3A_38 = arith.constant 0 : i32
    %dma_wait3A_39 = tpu.memref_slice %arg8[%dma_wait3A_34, %dma_wait3A_38] : memref<8x80xi32, #tpu.memory_space<vmem>> -> memref<1x80xi32, #tpu.memory_space<vmem>>
    %dma_wait3A_40 = tpu.memref_squeeze %dma_wait3A_39 : memref<1x80xi32, #tpu.memory_space<vmem>> -> memref<80xi32, #tpu.memory_space<vmem>>
    %dma_wait3A_41 = arith.constant 0 : i32
    %dma_wait3A_42 = arith.constant 0 : i32
    %dma_wait3A_43 = tpu.memref_slice %arg9[%dma_wait3A_41, %dma_wait3A_42] : memref<10000x128xf32, #tpu.memory_space<vmem_shared>> -> memref<10000x128xf32, #tpu.memory_space<vmem_shared>>
    tpu.wait_indirect_dma semaphore(%arg13 : memref<!tpu.dma_semaphore, #tpu.memory_space<semaphore_mem>>) src(%dma_wait3A_37 : memref<80x128xf32, #tpu.memory_space<vmem>>) dst(%dma_wait3A_43 : memref<10000x128xf32, #tpu.memory_space<vmem_shared>>)
    %barrier3A_44 = arith.constant 0 : index
    tpu.barrier barrier_id(%barrier3A_44)
    %lt3A_45 = arith.constant 10 : i32
    %lt3A_46 = arith.cmpi slt, %arg1, %lt3A_45 : i32
    %convert_element_type3A_47 = arith.extui %lt3A_46 : i1 to i32
    %cond3A_48 = arith.constant 0 : i32
    %cond3A_49 = arith.cmpi ne, %convert_element_type3A_47, %cond3A_48 : i32
    scf.if %cond3A_49 {
      %mul3A_50 = arith.constant 1000 : i32
      %mul3A_51 = arith.muli %arg1, %mul3A_50 : i32
      %mul3A_52 = arith.constant 1000 : i32
      %mul3A_53 = arith.muli %arg1, %mul3A_52 : i32
      "tpu.region"() ({
        %run_scoped3A = tpu.sem_alloc : memref<!tpu.dma_semaphore, #tpu.memory_space<semaphore_mem>>
        %dma_start3A_54 = arith.constant 0 : i32
        %dma_start3A_55 = tpu.memref_slice %arg5[%arg0, %mul3A_53, %dma_start3A_54] : memref<2x10000x128xf32, #tpu.memory_space<hbm>> -> memref<1x1000x128xf32, #tpu.memory_space<hbm>>
        %dma_start3A_56 = tpu.memref_squeeze %dma_start3A_55 : memref<1x1000x128xf32, #tpu.memory_space<hbm>> -> memref<1000x128xf32, #tpu.memory_space<hbm>>
        %dma_start3A_57 = arith.constant 0 : i32
        %dma_start3A_58 = tpu.memref_slice %arg9[%mul3A_51, %dma_start3A_57] : memref<10000x128xf32, #tpu.memory_space<vmem_shared>> -> memref<1000x128xf32, #tpu.memory_space<vmem_shared>>
        tpu.enqueue_dma source(%dma_start3A_58 : memref<1000x128xf32, #tpu.memory_space<vmem_shared>>) target(%dma_start3A_56 : memref<1000x128xf32, #tpu.memory_space<hbm>>) target_semaphore(%run_scoped3A : memref<!tpu.dma_semaphore, #tpu.memory_space<semaphore_mem>>)
        %dma_wait3A_59 = arith.constant 0 : i32
        %dma_wait3A_60 = tpu.memref_slice %arg5[%arg0, %mul3A_53, %dma_wait3A_59] : memref<2x10000x128xf32, #tpu.memory_space<hbm>> -> memref<1x1000x128xf32, #tpu.memory_space<hbm>>
        %dma_wait3A_61 = tpu.memref_squeeze %dma_wait3A_60 : memref<1x1000x128xf32, #tpu.memory_space<hbm>> -> memref<1000x128xf32, #tpu.memory_space<hbm>>
        %dma_wait3A_62 = arith.constant 0 : i32
        %dma_wait3A_63 = tpu.memref_slice %arg9[%mul3A_51, %dma_wait3A_62] : memref<10000x128xf32, #tpu.memory_space<vmem_shared>> -> memref<1000x128xf32, #tpu.memory_space<vmem_shared>>
        tpu.wait_dma2 semaphore(%run_scoped3A : memref<!tpu.dma_semaphore, #tpu.memory_space<semaphore_mem>>) src(%dma_wait3A_63 : memref<1000x128xf32, #tpu.memory_space<vmem_shared>>) dst(%dma_wait3A_61 : memref<1000x128xf32, #tpu.memory_space<hbm>>)
        tpu.yield
      }) : () -> ()
    } else {
    }
    return
  }
}

</mosaic_0001>

<sc_bundles>
// kernel: _seg_sum_sc.3.cloned.1.call-start
scs
__scs_entry_jumppad:
0x0: {  	(pc) =	sbr.rel $0x88, $3  }
0x1: {  	(tag) =	ssettag $0x0;
	lr =	simm.s32 $0x1  }
0x2: {  	[smem:$0x3F9E] =	sst lr;
	_ =	strace $0xD0000000  }
0x3: {  	_ = 	snop  }
0x4: {  	_ = 	snop  }
0x5: {  	_ = 	snop  }
0x6: {  	_ = 	snop  }
0x7: {  	_ = 	snop  }
__scs_overlays_trampoline_lowered:
0x8: {  	[smem:$0x3FAD] =	sst s0  }
0x9: {  	[smem:$0x3FAE] =	sst s1  }
0xa: {  	[smem:$0x3FAF] =	sst s2  }
0xb: {  	[smem:$0x3FB0] =	sst s3  }
0xc: {  	[smem:$0x3FB1] =	sst s4  }
0xd: {  	[smem:$0x3FB2] =	sst s5  }
0xe: {  	[smem:$0x3FB3] =	sst s6  }
0xf: {  	[smem:$0x3FB4] =	sst s7  }
0x10: {  	[smem:$0x3FB5] =	sst s8  }
0x11: {  	[smem:$0x3FB6] =	sst s9;
	s0 =	simm.s32 @!p0 $0x0  }
0x12: {  	s1 =	sld [smem:$0x3F9C];
	s0 =	simm.s32 @p0 $0x1  }
0x13: {  	[smem:$0x3FB7] =	sst s0;
	s0 =	simm.s32 @!p1 $0x0  }
0x14: {  	s2 =	sld [smem:$0x3F9B];
	s0 =	simm.s32 @p1 $0x1  }
0x15: {  	[smem:$0x3FB8] =	sst s0;
	s0 =	simm.s32 @!p2 $0x0  }
0x16: {  	s3 =	sld [smem:$0x3FDB];
	s0 =	simm.s32 @p2 $0x1  }
0x17: {  	s4 =	simm.s32 $0x1BF5;
	[smem:$0x3FBA] =	sst s0  }
0x18: {  	s0 =	sld [smem:$0x3F9D];
	_ =	swait.ge [sflag:s4], $0x0  }
0x19: {  	s7 =	sld [smem:$0x3F9E]  }
0x1a: {  	s8 =	sadd.s32 $0xFFFFE003, lr  }
0x1b: {  	s9 =	sadd.s32 $0xFFFFFEF7, lr;
	s5 =	simm.s32 $0xFFFFFFFF;
	p2 =	slt.u32 s8, $0xFFFFF086  }
0x1c: {  	p1 =	slt.u32 s9, $0xF7A;
	s5 =	simm.s32 @!p2 $0x0  }
0x1d: {  	s5 =	simm.s32 @p1 $0x1;
	p0 =	seq.s32 s7, s2  }
0x1e: {  	s7 =	smul.u32 @!p0 $0xF7A, s2;
	p2 =	seq.s32 @!p0 s5, $0x0  }
0x1f: {  	s9 =	smul.u32 $0xF7A, s1;
	s8 =	simm.s32 @!p0 $0x1BF5;
	p2 =	por !p2, p0  }
0x20: {  	[sflag:s8] =	ssyncset.s32 @!p0 $0xFFFFF086;
	s6 =	sadd.s32 @!p0 s3, s7;
	s7 =	simm.s32 @!p0 $0x108  }
0x21: {  	s3 =	sadd.s32 s3, s9;
	s6 =	sadd.s32 @!p0 $0x88, s6;
	s7 =	simm.s32 @p2 $0x1082  }
0x22: {  	[simem:s7], [sflag:s8] =	dma.local @!p0 [hbm:s6], $0xF7A  }
0x23: {  	s9 =	sor.u32 $0xD0000000, s2;
	s6 =	simm.s32 $0x108;
	_ =	swait.ge @!p0 [sflag:s8], $0x0  }
0x24: {  	s3 =	sadd.s32 $0x88, s3;
	s6 =	simm.s32 @!p1 $0x1082;
	[sflag:s4] =	ssyncset.s32 $0xFFFFF086  }
0x25: {  	[simem:s6], [sflag:s4] =	dma.local [hbm:s3], $0xF7A  }
0x26: {  	[smem:$0x3F9E] =	sst s1;
	(tag) =	ssettag s2;
	_ =	strace s9  }
0x27: {  	s1 =	sld [smem:$0x3FAE]  }
0x28: {  	s2 =	sld [smem:$0x3FAF]  }
0x29: {  	s4 =	sld [smem:$0x3FB1]  }
0x2a: {  	p0 =	seq.s32 s5, $0x0;
	s5 =	sld [smem:$0x3FB2]  }
0x2b: {  	s6 =	sld [smem:$0x3FB3]  }
0x2c: {  	s7 =	sld [smem:$0x3FB4]  }
0x2d: {  	s3 =	simm.s32 $0x108;
	s8 =	sld [smem:$0x3FB5]  }
0x2e: {  	s3 =	simm.s32 @!p0 $0x1082;
	s9 =	sld [smem:$0x3FB6]  }
0x2f: {  	lr =	sadd.s32 s0, s3;
	s0 =	sld [smem:$0x3FAD]  }
0x30: {  	s3 =	sld [smem:$0x3FB0]  }
0x31: {  	[smem:$0x3FB9] =	sst s10  }
0x32: {  	s10 =	sld [smem:$0x3FB7];
	_ =	sdelay $0x3  }
0x33: {  	p0 =	seq.s32 s10, $0x1;
	s10 =	sld [smem:$0x3FB9];
	_ =	sdelay $0x3  }
0x34: {  	[smem:$0x3FB9] =	sst s10  }
0x35: {  	s10 =	sld [smem:$0x3FB8];
	_ =	sdelay $0x3  }
0x36: {  	p1 =	seq.s32 s10, $0x1;
	s10 =	sld [smem:$0x3FB9];
	_ =	sdelay $0x3  }
0x37: {  	[smem:$0x3FB9] =	sst s10  }
0x38: {  	s10 =	sld [smem:$0x3FBA]  }
0x39: {  	_ = 	snop;
	(pc) =	sbr.ind lr, $3  }
0x3a: {  	_ = 	snop  }
0x3b: {  	_ = 	snop  }
0x3c: {  	p2 =	seq.s32 s10, $0x1;
	s10 =	sld [smem:$0x3FB9]  }
0x3d: {  	_ =	shalt  }
0x3e: {  	_ =	shalt  }
0x3f: {  	_ =	shalt  }
0x40: {  	_ =	shalt  }
0x41: {  	_ =	shalt  }
0x42: {  	_ =	shalt  }
0x43: {  	_ =	shalt  }
0x44: {  	_ =	shalt  }
0x45: {  	_ =	shalt  }
0x46: {  	_ =	shalt  }
0x47: {  	_ =	shalt  }
0x48: {  	_ =	shalt  }
0x49: {  	_ =	shalt  }
0x4a: {  	_ =	shalt  }
0x4b: {  	_ =	shalt  }
0x4c: {  	_ =	shalt  }
0x4d: {  	_ =	shalt  }
0x4e: {  	_ =	shalt  }
0x4f: {  	_ =	shalt  }
0x50: {  	_ =	shalt  }
0x51: {  	_ =	shalt  }
0x52: {  	_ =	shalt  }
0x53: {  	_ =	shalt  }
0x54: {  	_ =	shalt  }
0x55: {  	_ =	shalt  }
0x56: {  	_ =	shalt  }
0x57: {  	_ =	shalt  }
0x58: {  	_ =	shalt  }
0x59: {  	_ =	shalt  }
0x5a: {  	_ =	shalt  }
0x5b: {  	_ =	shalt  }
0x5c: {  	_ =	shalt  }
0x5d: {  	_ =	shalt  }
0x5e: {  	_ =	shalt  }
0x5f: {  	_ =	shalt  }
0x60: {  	_ =	shalt  }
0x61: {  	_ =	shalt  }
0x62: {  	_ =	shalt  }
0x63: {  	_ =	shalt  }
0x64: {  	_ =	shalt  }
0x65: {  	_ =	shalt  }
0x66: {  	_ =	shalt  }
0x67: {  	_ =	shalt  }
0x68: {  	_ =	shalt  }
0x69: {  	_ =	shalt  }
0x6a: {  	_ =	shalt  }
0x6b: {  	_ =	shalt  }
0x6c: {  	_ =	shalt  }
0x6d: {  	_ =	shalt  }
0x6e: {  	_ =	shalt  }
0x6f: {  	_ =	shalt  }
0x70: {  	_ =	shalt  }
0x71: {  	_ =	shalt  }
0x72: {  	_ =	shalt  }
0x73: {  	_ =	shalt  }
0x74: {  	_ =	shalt  }
0x75: {  	_ =	shalt  }
0x76: {  	_ =	shalt  }
0x77: {  	_ =	shalt  }
0x78: {  	_ =	shalt  }
0x79: {  	_ =	shalt  }
0x7a: {  	_ =	shalt  }
0x7b: {  	_ =	shalt  }
0x7c: {  	_ =	shalt  }
0x7d: {  	_ =	shalt  }
0x7e: {  	_ =	shalt  }
0x7f: {  	_ =	shalt  }
0x80: {  	_ =	shalt  }
0x81: {  	_ =	shalt  }
0x82: {  	_ =	shalt  }
0x83: {  	_ =	shalt  }
0x84: {  	_ =	shalt  }
0x85: {  	_ =	shalt  }
0x86: {  	_ =	shalt  }
0x87: {  	_ =	shalt  }
.Lfunc_end0:
.L_simem_size_0:
called_computation_lowered:
.L_overlay_start_0:
0x88: {  	s2 =	sld [smem:$0x3FD9]  }
0x89: {  	s3 =	sld [smem:$0x3FFE];
	_ =	sdelay $0x1  }
0x8a: {  	s1 =	srdreg.scid  }
0x8b: {  	s0 =	sand.u32 $0x1, s1  }
0x8c: {  	s17 =	sshll.u32 s0, $0xA;
	s2 =	sadd.s32 s3, s2  }
0x8d: {  	s2 =	sadd.s32 s2, s17  }
0x8e: {  	[smem:$0x3FC5] =	sst s2  }
0x8f: {  	_ = 	snop  }
0x90: {  	s2 =	sld [smem:$0x3FC9]  }
0x91: {  	s18 =	sld [smem:$0x3FC7]  }
0x92: {  	s4 =	sld [smem:$0x3FD0];
	(tm) =	ssettm $0x1  }
0x93: {  	s5 =	sld [smem:$0x3FFB];
	_ =	sdelay $0x3  }
0x94: {  	_ =	strace s5  }
0x95: {  	s5 =	sld [smem:$0x3FFC];
	_ =	sdelay $0x3  }
0x96: {  	_ =	strace s5  }
0x97: {  	s5 =	sld [smem:$0x3FFD];
	_ =	sdelay $0x3  }
0x98: {  	_ =	strace s5  }
0x99: {  	_ =	strace $0x8FFFFFFF  }
0x9a: {  	s19 =	sld [smem:$0x3FDB];
	_ =	sdelay $0x1  }
0x9b: {  	s6 =	simm.s32 $_scs_section_size  }
0x9c: {  	s7 =	simm.s32 $_size__tile_overlayer_lowered;
	s8 =	simm.s32 $_tile_overlayer_lowered  }
0x9d: {  	s22 =	simm.s32 $0x1BFF;
	s21 =	sshll.u32 s8, $0x1;
	s5 =	sadd.s32 s6, s19  }
0x9e: {  	s9 =	simm.s32 $0x0;
	s20 =	sshll.u32 s7, $0x1;
	s7 =	sadd.s32 s21, s5  }
0x9f: {  	[timem:s9], [sflag:s22] =	dma.local [hbm:s7], s20  }
0xa0: {  	_ =	swait.ge [sflag:s22], s20  }
0xa1: {  	s6 =	ssub.s32 $0x0, s20;
	[sflag:s22] =	ssyncset.done $0x0  }
0xa2: {  	[sflag:s22] =	ssyncadd.s32 s6;
	_ =	sdelay $0x1  }
0xa3: {  	s23 =	simm.s32 $0x1B8B  }
0xa4: {  	_ =	swait.ge [sflag:s23], $0x1  }
0xa5: {  	[sflag:s23] =	ssyncset.done $0x0  }
0xa6: {  	s25 =	simm.s32 $0x1B8E;
	s24 =	sld [smem:$0x3FFE];
	[sflag:s23] =	ssyncadd.s32 $0xFFFFFFFF  }
0xa7: {  	s26 =	simm.s32 $execute0_lowered;
	[smem:$0x3FD2] =	sst s25  }
0xa8: {  	s7 =	sshll.u32 s26, $0x1;
	_ =	strace $0x80000046;
	[dreg:$0x1] =	wrdreg $0xFFFFFFFF  }
0xa9: {  	s28 =	simm.s32 $_size_execute0_lowered;
	s5 =	sadd.s32 s5, s7;
	[dreg:$0x0] =	wrdreg $0x0  }
0xaa: {  	s7 =	sshll.u32 s28, $0x1;
	[dreg:$0x2] =	wrdreg s5  }
0xab: {  	[dreg:$0x3] =	wrdreg s7  }
0xac: {  	[dreg:$0x4] =	wrdreg $0xC0  }
0xad: {  	_ =	task [dreg:s9], $0x5FFFF  }
0xae: {  	[dreg:$0x1] =	wrdreg $0xFFFFFFFF  }
0xaf: {  	[dreg:$0x0] =	wrdreg $0x60  }
0xb0: {  	[dreg:$0x2] =	wrdreg s2  }
0xb1: {  	[dreg:$0x3] =	wrdreg s24  }
0xb2: {  	[dreg:$0x4] =	wrdreg s18  }
0xb3: {  	[dreg:$0x5] =	wrdreg s4  }
0xb4: {  	[dreg:$0x6] =	wrdreg $0xA4000  }
0xb5: {  	[dreg:$0x7] =	wrdreg $0x9  }
0xb6: {  	_ =	task.clear_ibuf [dreg:s9], $0x8FFFF;
	_ =	strace $0x90000046  }
0xb7: {  	s29 =	simm.s32 $0x9;
	_ =	strace $0x80000048  }
0xb8: {  	_ =	swait.ge [sflag:s29], $0x1  }
0xb9: {  	[sflag:s29] =	ssyncadd.s32 $0xFFFFFFFF  }
0xba: {  	_ =	strace $0x90000048  }
0xbb: {  	_ =	sfence  }
0xbc: {  	s30 =	sld [smem:$0x0];
	_ =	sdelay $0x2  }
0xbd: {  	s31 =	sshll.u32 s1, $0xD;
	s1 =	sshrl.u32 s1, $0x2  }
0xbe: {  	s3 =	sand.u32 $0x4000, s31;
	s1 =	sadd.s32 s1, s30  }
0xbf: {  	s0 =	sor.u32 s3, s0;
	s1 =	sshll.u32 s1, $0x11  }
0xc0: {  	s0 =	sor.u32 s1, s0  }
0xc1: {  	s0 =	sadd.s32 $0x8F2B, s0  }
0xc2: {  	[sflag:s0] =	ssyncadd.remote.s32 $0x1  }
0xc3: {  	_ =	sfence.sel $0xFFFF  }
0xc4: {  	[dreg:$0x0] =	wrdreg $0xFFFFFFFF;
	(pc) =	sbr.abs _section_cstart, $3  }
0xc5: {  	[dreg:$0x1] =	wrdreg $0xFFFFFFFF  }
0xc6: {  	_ =	task.clear_ibuf [dreg:s9], $0x2FFFF;
	_ =	strace $0x9FFFFFFF  }
0xc7: {  	(tm) =	ssettm $0x7FFFFFFF  }
tec
execute0_lowered:
.L_overlay_start_1:
0x0: {  	(tag) =	ssettag $0x1  }
0x1: {  	s10 =	rddreg [dreg:$0x0]  }
0x2: {  	s4 =	rddreg [dreg:$0x1]  }
0x3: {  	s1 =	rddreg [dreg:$0x2]  }
0x4: {  	s7 =	rddreg [dreg:$0x3]  }
0x5: {  	s2 =	rddreg [dreg:$0x4]  }
0x6: {  	s0 =	rddreg [dreg:$0x5];
	s3 =	simm.s32 $0x0  }
0x7: {  	s5 =	srdreg.scid;
	s13 =	simm.s32 $0x8;
	s17 =	simm.s32 $0xA080  }
0x8: {  	s18 =	simm.s32 $0xA100;
	s19 =	simm.s32 $0xA180;
	s20 =	simm.s32 $0xA200  }
0x9: {  	s21 =	simm.s32 $0xA280;
	s22 =	simm.s32 $0xA300;
	s23 =	simm.s32 $0xA380  }
0xa: {  	[smem:$0x7FF] =	sst s3;
	s6 =	sadd.s32 $0x400, s4;
	s4 =	stileid.u32  }
0xb: {  	s8 =	sand.u32 $0x1, s5;
	_ =	strace $0x80000047;
	s25 =	smul.u32 $0x7D000, s4  }
0xc: {  	[dreg:$0x6] =	wrdreg s6;
	s5 =	ssub.s32 $0x2, s8;
	s12 =	smul.u32 $0x138800, s8  }
0xd: {  	s11 =	sshll.u32 s8, $0x4;
	s28 =	smul.u32 $0x1F400, s4;
	[dreg:$0x8] =	wrdreg s17  }
0xe: {  	s29 =	smul.u32 $0x500000, s8;
	s30 =	sshll.u32 s8, $0x13;
	[dreg:$0x9] =	wrdreg s18  }
0xf: {  	s15 =	sshll.u32 s4, $0xF;
	s16 =	smul.u32 $0x50000, s4;
	[dreg:$0xa] =	wrdreg s19  }
0x10: {  	s17 =	simm.s32 $0x2800;
	s18 =	simm.s32 $0x3;
	[dreg:$0xb] =	wrdreg s20  }
0x11: {  	s19 =	simm.s32 $0x2;
	s20 =	simm.s32 $0x5000;
	[dreg:$0xc] =	wrdreg s21  }
0x12: {  	s21 =	simm.s32 $0x7800;
	[dreg:$0xd] =	wrdreg s22;
	s22 =	simm.s32 $0x4  }
0x13: {  	[dreg:$0xe] =	wrdreg s23;
	s23 =	simm.s32 $0x0;
	s9 =	sshrl.u32 s5, $0x1  }
0x14: {  	s26 =	sor.u32 s4, s11;
	s9 =	ssub.s32 s5, s9;
	s6 =	sshrl.u32 s25, $0x2  }
0x15: {  	p0 =	seq.s32 s26, $0x1F;
	s14 =	smul.u32 $0x50000, s26;
	s11 =	sadd.s32 s28, s12  }
0x16: {  	s13 =	simm.s32 @!p0 $0x20;
	s12 =	sadd.s32 s6, s2;
	s11 =	sshrl.u32 s11, $0x3  }
0x17: {  	s8 =	smax.u32 s9, $0x1;
	s9 =	sor.u32 s15, s30;
	p0 =	sgt.u32 s4, $0x9  }
0x18: {  	s15 =	simm.s32 $0x1;
	s5 =	sshll.u32 s13, $0x2;
	s6 =	sadd.s32 s10, s14  }
0x19: {  	s7 =	sadd.s32 s7, s11;
	s10 =	sadd.s32 s29, s10;
	s31 =	ssub.s32 $0x0, s13  }
0x1a: {  	s11 =	sshll.u32 @!p0 s4, $0x6;
	s12 =	sshrl.u32 @!p0 s12, $0x3;
	s13 =	simm.s32 $0xA000  }
0x1b: {  	s14 =	simm.s32 $0x5;
	s10 =	sadd.s32 s16, s10;
	[dreg:$0x7] =	wrdreg s31  }
0x1c: {  	s11 =	sor.u32 @!p0 $0x1C05, s11;
	s16 =	simm.s32 $0x50;
	s10 =	sadd.s32 $0x1400, s10  }
.LBB2_1:
0x1d: {  	[spmem:s12], [sflag:s11] =	dma.local @!p0 [hbm:s1], $0x3E80  }
0x1e: {  	s24 =	simm.s32 @!p0 $0x5  }
0x1f: {  	_ =	swait.ge @!p0 [sflag:s24], $0x3E80  }
0x20: {  	[sflag:s24] =	ssyncset.done @!p0 $0x0  }
0x21: {  	s25 =	smov.u32 s10;
	s26 =	simm.s32 $0x0;
	[sflag:s24] =	ssyncadd.s32 @!p0 $0xFFFFC180  }
0x22: {  	s28 =	smov.u32 s9;
	s24 =	simm.s32 $0x4;
	[bflag:$0x0] =	sbarrier.arrive $0xFFFF  }
0x23: {  	[tilespmem:s3], [sflag:$0x1] =	stream.linear.gather [hbm4b:s6+s3], $0x5000, $0x38;
	[tilespmem:$0x1DC80] =	vst v63  }
.LBB2_2:
0x24: {  	p1 =	seq.s32 s26, $0x0  }
0x25: {  	s29 =	simm.s32 @!p1 $0x4  }
0x26: {  	_ =	swait.ge @!p1 [sflag:s29], $0x2800  }
0x27: {  	[sflag:s29] =	ssyncset.done @!p1 $0x0  }
0x28: {  	[sflag:s29] =	ssyncadd.s32 @!p1 $0xFFFFD800  }
0x29: {  	_ =	swait.ge @!p1 [sflag:s29], $0x2800  }
0x2a: {  	s31 =	sshrl.u32 s28, $0x3;
	s30 =	rddreg [dreg:$0x6];
	[sflag:s29] =	ssyncset.done @!p1 $0x0  }
0x2b: {  	[sflag:s29] =	ssyncadd.s32 @!p1 $0xFFFFD800;
	s31 =	sadd.s32 s30, s31;
	s30 =	sadd.s32 $0xFFFFFFFD, s24  }
0x2c: {  	[tilespmem:s13], [sflag:$0x5] =	stream.linear.gather [hbm4b:s31+s3], $0x400, $0x38;
	[tilespmem:$0x1DC80] =	vst v63  }
0x2d: {  	p1 =	sge.u32 s30, s5;
	_ =	swait.ge [sflag:s14], $0x400  }
0x2e: {  	s29 =	sadd.s32 @!p1 $0xFFFFF600, s25;
	[sflag:s14] =	ssyncset.done $0x0  }
0x2f: {  	s30 =	simm.s32 @!p1 $0x0;
	s31 =	simm.s32 @!p1 $0x5000;
	[sflag:s14] =	ssyncadd.s32 $0xFFFFFC00  }
0x30: {  	[tilespmem:s31], [sflag:$0x2] =	stream.linear.gather @!p1 [hbm4b:s29+s30], $0x5000, $0x38;
	[tilespmem:$0x1DC80] =	vst v63  }
0x31: {  	_ =	swait.ge [sflag:s15], $0x5000  }
0x32: {  	[sflag:s15] =	ssyncset.done $0x0  }
0x33: {  	[sflag:s15] =	ssyncadd.s32 $0xFFFFB000  }
0x34: {  	[spmem:s2] =	stream.indirect.scatter.add.f32 [tilespmem:s3], [sflag:$0x3], $0x80, s13, s16, $0xb8;
	[tilespmem:$0x1DC80] =	vst v63  }
0x35: {  	s31 =	rddreg [dreg:$0x8]  }
0x36: {  	[spmem:s2] =	stream.indirect.scatter.add.f32 [tilespmem:s17], [sflag:$0x3], $0x80, s31, s16, $0xb8;
	[tilespmem:$0x1DC80] =	vst v63  }
0x37: {  	_ =	swait.ge [sflag:s18], $0x2800  }
0x38: {  	[sflag:s18] =	ssyncset.done $0x0  }
0x39: {  	[sflag:s18] =	ssyncadd.s32 $0xFFFFD800  }
0x3a: {  	s30 =	sadd.s32 $0xFFFFFFFE, s24;
	_ =	swait.ge [sflag:s18], $0x2800  }
0x3b: {  	p1 =	sge.u32 s30, s5;
	[sflag:s18] =	ssyncset.done $0x0  }
0x3c: {  	s29 =	simm.s32 @!p1 $0x0;
	[sflag:s18] =	ssyncadd.s32 $0xFFFFD800  }
0x3d: {  	[tilespmem:s29], [sflag:$0x1] =	stream.linear.gather @!p1 [hbm4b:s25+s29], $0x5000, $0x38;
	[tilespmem:$0x1DC80] =	vst v63  }
0x3e: {  	_ =	swait.ge [sflag:s19], $0x5000  }
0x3f: {  	[sflag:s19] =	ssyncset.done $0x0  }
0x40: {  	s29 =	rddreg [dreg:$0x9];
	[sflag:s19] =	ssyncadd.s32 $0xFFFFB000  }
0x41: {  	[spmem:s2] =	stream.indirect.scatter.add.f32 [tilespmem:s20], [sflag:$0x4], $0x80, s29, s16, $0xb8;
	[tilespmem:$0x1DC80] =	vst v63  }
0x42: {  	s31 =	rddreg [dreg:$0xa]  }
0x43: {  	[spmem:s2] =	stream.indirect.scatter.add.f32 [tilespmem:s21], [sflag:$0x4], $0x80, s31, s16, $0xb8;
	[tilespmem:$0x1DC80] =	vst v63  }
0x44: {  	_ =	swait.ge [sflag:s22], $0x2800  }
0x45: {  	[sflag:s22] =	ssyncset.done $0x0  }
0x46: {  	s30 =	sadd.s32 $0xFFFFFFFF, s24;
	[sflag:s22] =	ssyncadd.s32 $0xFFFFD800  }
0x47: {  	p1 =	sge.u32 s30, s5;
	_ =	swait.ge [sflag:s22], $0x2800  }
0x48: {  	s30 =	simm.s32 @!p1 $0x0;
	[sflag:s22] =	ssyncset.done $0x0  }
0x49: {  	s29 =	sadd.s32 @!p1 $0xA00, s25;
	s31 =	simm.s32 @!p1 $0x5000;
	[sflag:s22] =	ssyncadd.s32 $0xFFFFD800  }
0x4a: {  	[tilespmem:s31], [sflag:$0x2] =	stream.linear.gather @!p1 [hbm4b:s29+s30], $0x5000, $0x38;
	[tilespmem:$0x1DC80] =	vst v63  }
0x4b: {  	_ =	swait.ge [sflag:s15], $0x5000  }
0x4c: {  	[sflag:s15] =	ssyncset.done $0x0  }
0x4d: {  	s29 =	rddreg [dreg:$0xb];
	[sflag:s15] =	ssyncadd.s32 $0xFFFFB000  }
0x4e: {  	[spmem:s2] =	stream.indirect.scatter.add.f32 [tilespmem:s3], [sflag:$0x3], $0x80, s29, s16, $0xb8;
	[tilespmem:$0x1DC80] =	vst v63  }
0x4f: {  	s31 =	rddreg [dreg:$0xc]  }
0x50: {  	[spmem:s2] =	stream.indirect.scatter.add.f32 [tilespmem:s17], [sflag:$0x3], $0x80, s31, s16, $0xb8;
	[tilespmem:$0x1DC80] =	vst v63  }
0x51: {  	_ =	swait.ge [sflag:s18], $0x2800  }
0x52: {  	[sflag:s18] =	ssyncset.done $0x0  }
0x53: {  	[sflag:s18] =	ssyncadd.s32 $0xFFFFD800  }
0x54: {  	_ =	swait.ge [sflag:s18], $0x2800  }
0x55: {  	p1 =	sge.u32 s24, s5;
	[sflag:s18] =	ssyncset.done $0x0  }
0x56: {  	s30 =	simm.s32 @!p1 $0x0;
	s29 =	sadd.s32 @!p1 $0x1400, s25;
	[sflag:s18] =	ssyncadd.s32 $0xFFFFD800  }
0x57: {  	[tilespmem:s30], [sflag:$0x1] =	stream.linear.gather @!p1 [hbm4b:s29+s30], $0x5000, $0x38;
	[tilespmem:$0x1DC80] =	vst v63  }
0x58: {  	_ =	swait.ge [sflag:s19], $0x5000  }
0x59: {  	[sflag:s19] =	ssyncset.done $0x0  }
0x5a: {  	s31 =	rddreg [dreg:$0xd];
	[sflag:s19] =	ssyncadd.s32 $0xFFFFB000  }
0x5b: {  	[spmem:s2] =	stream.indirect.scatter.add.f32 [tilespmem:s20], [sflag:$0x4], $0x80, s31, s16, $0xb8;
	[tilespmem:$0x1DC80] =	vst v63  }
0x5c: {  	s26 =	sadd.s32 $0xFFFFFFFF, s26;
	s31 =	rddreg [dreg:$0x7]  }
0x5d: {  	p1 =	sne.s32 s31, s26  }
.Ltmp0:
0x5e: {  	_ = 	snop;
	(pc) =	sbr.rel @p1 .LBB2_2-.Ltmp0, $4  }
0x5f: {  	_ = 	snop  }
0x60: {  	s28 =	sadd.s32 $0x400, s28  }
0x61: {  	s24 =	sadd.s32 $0x4, s24;
	s25 =	sadd.s32 $0x2800, s25;
	s30 =	rddreg [dreg:$0xe]  }
0x62: {  	[spmem:s2] =	stream.indirect.scatter.add.f32 [tilespmem:s21], [sflag:$0x4], $0x80, s30, s16, $0xb8;
	[tilespmem:$0x1DC80] =	vst v63  }
0x63: {  	_ =	swait.ge [sflag:s22], $0x2800  }
0x64: {  	[sflag:s22] =	ssyncset.done $0x0  }
0x65: {  	[sflag:s22] =	ssyncadd.s32 $0xFFFFD800  }
0x66: {  	_ =	swait.ge [sflag:s22], $0x2800  }
0x67: {  	s23 =	sadd.s32 $0x1, s23;
	[sflag:s22] =	ssyncset.done $0x0  }
0x68: {  	p1 =	sne.s32 s23, s8;
	[sflag:s22] =	ssyncadd.s32 $0xFFFFD800  }
.Ltmp1:
0x69: {  	s24 =	simm.s32 @!p0 $0x5;
	[bflag:$0x0] =	sbarrier.arrive $0xFFFF;
	(pc) =	sbr.rel @p1 .LBB2_1-.Ltmp1, $4  }
0x6a: {  	[hbm:s7], [sflag:s11] =	dma.local @!p0 [spmem:s12], $0x3E80  }
0x6b: {  	_ =	swait.ge @!p0 [sflag:s24], $0x3E80  }
0x6c: {  	[sflag:s24] =	ssyncset.done @!p0 $0x0  }
0x6d: {  	[sflag:s24] =	ssyncadd.s32 @!p0 $0xFFFFC180  }
0x6e: {  	_ =	sfence.sel $0x180000  }
0x6f: {  	[bflag:$0x0] =	sbarrier.arrive $0xFFFF  }
0x70: {  	p0 =	sne.s32 s4, $0x0;
	_ =	strace $0x90000047  }
0x71: {  	s0 =	sadd.s32 @!p0 $0x100000, s0;
	[bflag:$0x2] =	sbarrier.arrive $0xFFFF  }
0x72: {  	[sflag:s0] =	ssyncadd.tile.s32 @!p0 $0x1;
	_ =	shalt  }
.Lfunc_end2:
_tile_overlayer_lowered:
.L_overlay_start_2:
0x73: {  	(tag) =	ssettag $0x2  }
0x74: {  	s0 =	rddreg [dreg:$0x0];
	s2 =	stileid.u32  }
0x75: {  	s1 =	rddreg [dreg:$0x1];
	p0 =	sne.s32 s2, $0x0  }
0x76: {  	s3 =	rddreg [dreg:$0x2];
	[bflag:$0x3] =	sbarrier.arrive $0xFFFF;
	s2 =	simm.s32 @!p0 $0x1C05  }
0x77: {  	[timem:s3], [sflag:s2] =	dma.local @!p0 [hbm:s0], s1  }
0x78: {  	s0 =	simm.s32 @!p0 $0x5  }
0x79: {  	_ =	swait.ge @!p0 [sflag:s0], s1  }
0x7a: {  	s1 =	ssub.s32 @!p0 $0x0, s1;
	[sflag:s0] =	ssyncset.done @!p0 $0x0  }
0x7b: {  	[sflag:s0] =	ssyncadd.s32 @!p0 s1  }
0x7c: {  	[bflag:$0x3] =	sbarrier.arrive $0xFFFF  }
0x7d: {  	_ =	shalt  }

</sc_bundles>
